<compile_context>
chip_gen: v7x
topology: tpu7x:2x2x1
jax: 0.10.2.dev20260603
libtpu: 0.0.44.dev20260713+nightly
codegen_flags: <defaults>
</compile_context>

<pallas_src>
import functools

import jax
import jax.numpy as jnp
from jax import lax
from jax.experimental import pallas as pl
from jax.experimental.pallas import tpu as pltpu
from jax.experimental.pallas import tpu_sc as plsc

N = 10000
E = 320000
DIN = 128
HID = 64

NC = 2
NS = 16
NW = NC * NS

NP = 10240
CH = 128
EPT = 10240
EP = EPT * NW
NCH = EPT // CH
RPT = NP // NS

@functools.cache
def _mesh():
    return plsc.VectorSubcoreMesh(
        core_axis_name="c", subcore_axis_name="s",
        num_cores=NC, num_subcores=NS)


def _deg_body(dst_hbm, out_hbm, deg_v, idx_v):
    cid = lax.axis_index("c")
    sid = lax.axis_index("s")
    wid = sid * NC + cid
    zeros16 = jnp.zeros((16,), jnp.float32)

    @pl.loop(0, NP // 16)
    def _(i):
        deg_v[pl.ds(i * 16, 16)] = zeros16

    pltpu.sync_copy(dst_hbm.at[pl.ds(wid * EPT, EPT)], idx_v)
    ones16 = jnp.ones((16,), jnp.float32)

    @pl.loop(0, EPT // 16)
    def _(i):
        idx = idx_v[pl.ds(i * 16, 16)]
        plsc.addupdate_scatter(deg_v, [idx], ones16)

    pltpu.sync_copy(deg_v, out_hbm.at[wid])


@functools.cache
def _deg_call():
    return pl.kernel(
        _deg_body,
        out_type=jax.ShapeDtypeStruct((NW, NP), jnp.float32),
        mesh=_mesh(),
        scratch_types=[
            pltpu.VMEM((NP,), jnp.float32),
            pltpu.VMEM((EPT,), jnp.int32),
        ],
        compiler_params=pltpu.CompilerParams(needs_layout_passes=False),
    )


def _scat_body(g_hbm, src_hbm, dst_hbm, out_hbm, srcv, dstv, rows, accum,
               zbuf, sem):
    cid = lax.axis_index("c")
    sid = lax.axis_index("s")
    wid = sid * NC + cid
    zeros16 = jnp.zeros((16,), jnp.float32)

    @pl.loop(0, 64)
    def _(i):
        @pl.loop(0, HID // 16)
        def _(j):
            zbuf[i, pl.ds(j * 16, 16)] = zeros16

    @pl.loop(0, RPT // 64)
    def _(k):
        pltpu.sync_copy(zbuf, accum.at[pl.ds(sid * RPT + k * 64, 64)])

    pltpu.sync_copy(src_hbm.at[wid], srcv)
    pltpu.sync_copy(dst_hbm.at[wid], dstv)
    plsc.subcore_barrier()

    @pl.loop(0, NCH)
    def _(j):
        pltpu.async_copy(g_hbm.at[srcv.at[j]], rows, sem).wait()
        pltpu.sync_copy(rows, accum.at[dstv.at[j]], add=True)

    plsc.subcore_barrier()
    pltpu.sync_copy(accum.at[pl.ds(sid * RPT, RPT)],
                    out_hbm.at[pl.ds(cid * NP + sid * RPT, RPT)])


@functools.cache
def _scat_call():
    return pl.kernel(
        _scat_body,
        out_type=jax.ShapeDtypeStruct((NC * NP, HID), jnp.float32),
        mesh=_mesh(),
        scratch_types=[
            pltpu.VMEM((NCH, CH), jnp.int32),
            pltpu.VMEM((NCH, CH), jnp.int32),
            pltpu.VMEM((CH, HID), jnp.float32),
            pltpu.VMEM_SHARED((NP, HID), jnp.float32),
            pltpu.VMEM((64, HID), jnp.float32),
            pltpu.SemaphoreType.DMA,
        ],
        compiler_params=pltpu.CompilerParams(use_tc_tiling_on_sc=False),
    )


_RB = 256
_GRID = NP // _RB


def _dense1_body(dp_ref, x_ref, w1_ref, dinv_ref, h1_ref, g1_ref):
    deg = jnp.sum(dp_ref[...], axis=0) + 1.0
    dinv = lax.rsqrt(jnp.maximum(deg, 1e-12))[:, None]
    dinv_ref[...] = dinv
    h = jnp.dot(x_ref[...], w1_ref[...], preferred_element_type=jnp.float32)
    h1_ref[...] = h
    g1_ref[...] = h * dinv


_dense1_call = pl.pallas_call(
    _dense1_body,
    grid=(_GRID,),
    in_specs=[
        pl.BlockSpec((NW, _RB), lambda i: (0, i)),
        pl.BlockSpec((_RB, DIN), lambda i: (i, 0)),
        pl.BlockSpec((DIN, HID), lambda i: (0, 0)),
    ],
    out_specs=[
        pl.BlockSpec((_RB, 1), lambda i: (i, 0)),
        pl.BlockSpec((_RB, HID), lambda i: (i, 0)),
        pl.BlockSpec((_RB, HID), lambda i: (i, 0)),
    ],
    out_shape=[
        jax.ShapeDtypeStruct((NP, 1), jnp.float32),
        jax.ShapeDtypeStruct((NP, HID), jnp.float32),
        jax.ShapeDtypeStruct((NP, HID), jnp.float32),
    ],
)


def _dense2_body(s_ref, h1_ref, dinv_ref, b1_ref, w2_ref, h2_ref, g2_ref):
    dinv = dinv_ref[...]
    s = s_ref[0] + s_ref[1]
    h1f = jnp.maximum(dinv * s + dinv * dinv * h1_ref[...] + b1_ref[...], 0.0)
    h2 = jnp.dot(h1f, w2_ref[...], preferred_element_type=jnp.float32)
    h2_ref[...] = h2
    g2_ref[...] = h2 * dinv


_dense2_call = pl.pallas_call(
    _dense2_body,
    grid=(_GRID,),
    in_specs=[
        pl.BlockSpec((NC, _RB, HID), lambda i: (0, i, 0)),
        pl.BlockSpec((_RB, HID), lambda i: (i, 0)),
        pl.BlockSpec((_RB, 1), lambda i: (i, 0)),
        pl.BlockSpec((1, HID), lambda i: (0, 0)),
        pl.BlockSpec((HID, HID), lambda i: (0, 0)),
    ],
    out_specs=[
        pl.BlockSpec((_RB, HID), lambda i: (i, 0)),
        pl.BlockSpec((_RB, HID), lambda i: (i, 0)),
    ],
    out_shape=[
        jax.ShapeDtypeStruct((NP, HID), jnp.float32),
        jax.ShapeDtypeStruct((NP, HID), jnp.float32),
    ],
)


def _dense3_body(s_ref, h2_ref, dinv_ref, b2_ref, o_ref):
    dinv = dinv_ref[...]
    s = s_ref[0] + s_ref[1]
    o_ref[...] = dinv * s + dinv * dinv * h2_ref[...] + b2_ref[...]


_dense3_call = pl.pallas_call(
    _dense3_body,
    grid=(_GRID,),
    in_specs=[
        pl.BlockSpec((NC, _RB, HID), lambda i: (0, i, 0)),
        pl.BlockSpec((_RB, HID), lambda i: (i, 0)),
        pl.BlockSpec((_RB, 1), lambda i: (i, 0)),
        pl.BlockSpec((1, HID), lambda i: (0, 0)),
    ],
    out_specs=pl.BlockSpec((_RB, HID), lambda i: (i, 0)),
    out_shape=jax.ShapeDtypeStruct((NP, HID), jnp.float32),
)


def kernel(x, edge_index, W1, b1, W2, b2):
    src = edge_index[0]
    dst = edge_index[1]
    pad = EP - E
    src_p = jnp.concatenate([src, jnp.zeros((pad,), src.dtype)])
    dst_p = jnp.concatenate([dst, jnp.full((pad,), NP - 1, dst.dtype)])
    src_r = src_p.reshape(NW, NCH, CH)
    dst_r = dst_p.reshape(NW, NCH, CH)
    x_p = jnp.concatenate([x, jnp.zeros((NP - N, DIN), x.dtype)])

    deg_parts = _deg_call()(dst_p)
    dinv, h1, g1 = _dense1_call(deg_parts, x_p, W1)
    s1 = _scat_call()(g1, src_r, dst_r).reshape(NC, NP, HID)
    h2, g2 = _dense2_call(s1, h1, dinv, b1.reshape(1, HID), W2)
    s2 = _scat_call()(g2, src_r, dst_r).reshape(NC, NP, HID)
    out = _dense3_call(s2, h2, dinv, b2.reshape(1, HID))
    return out[:N]

# --- scband reference (transcript-rebuilt; emitter-appended) ---
"""Pipeline reference for scband-gnn-net-link-1709396984148 (READ-ONLY COPY).

The authoritative reference and input builder live on the scoring server;
editing this copy changes nothing except your own understanding.
"""

import jax, jax.numpy as jnp
import numpy as np

N = 10000
E = 320000
D_IN = 128
HID = 64


def gcn_conv(x, edge_index, W, b):
    # GCNConv: out = D^-1/2 (A + I) D^-1/2 (X W) + b
    self_loops = jnp.arange(N, dtype=edge_index.dtype)
    src = jnp.concatenate([edge_index[0], self_loops])
    dst = jnp.concatenate([edge_index[1], self_loops])
    deg = jnp.zeros((N,), jnp.float32).at[dst].add(1.0)
    dinv = jax.lax.rsqrt(jnp.maximum(deg, 1e-12))
    norm = dinv[src] * dinv[dst]
    h = x @ W
    msg = jnp.take(h, src, axis=0) * norm[:, None]
    out = jnp.zeros((N, W.shape[1]), h.dtype).at[dst].add(msg)
    return out + b


def setup_inputs(seed: int = 0):
    key = jax.random.key(seed)
    ks = jax.random.split(key, 6)
    x = jax.random.normal(ks[0], (N, D_IN), dtype=jnp.float32)
    edge_index = jax.random.randint(ks[1], (2, E), 0, N, dtype=jnp.int32)
    W1 = jax.random.normal(ks[2], (D_IN, HID), dtype=jnp.float32) * (1.0 / np.sqrt(D_IN))
    b1 = jnp.zeros((HID,), jnp.float32)
    W2 = jax.random.normal(ks[3], (HID, HID), dtype=jnp.float32) * (1.0 / np.sqrt(HID))
    b2 = jnp.zeros((HID,), jnp.float32)
    return {"x": x, "edge_index": edge_index, "W1": W1, "b1": b1, "W2": W2, "b2": b2}


def reference(x, edge_index, W1, b1, W2, b2):
    # GNN_Net_Link.forward: returns GCN_Net encoder output (hidden embeddings).
    # max_depth=2: conv1 -> relu (dropout=0.0) -> conv2
    h = gcn_conv(x, edge_index, W1, b1)
    h = jax.nn.relu(h)
    out = gcn_conv(h, edge_index, W2, b2)
    return out

if __name__ == "__main__":
    import jax
    _d = setup_inputs()
    print(jax.jit(kernel)(*tuple(_d.values())))

</pallas_src>

<mosaic_0001>
#map = affine_map<(d0, d1) -> (0)>
#map1 = affine_map<(d0, d1) -> (0, 0)>
module attributes {stable_mosaic.version = 14 : i64} {
  func.func @_deg_body(%arg0: i32, %arg1: i32, %arg2: memref<327680xi32, #tpu.memory_space<hbm>>, %arg3: memref<32x10240xf32, #tpu.memory_space<hbm>>, %arg4: memref<10240xf32, #tpu.memory_space<vmem>>, %arg5: memref<10240xi32, #tpu.memory_space<vmem>>) attributes {dimension_semantics = [#tpu.dimension_semantics<core_parallel>, #tpu.dimension_semantics<subcore_parallel>], iteration_bounds = array<i64: 2, 16>, scalar_prefetch = 0 : i64, scratch_operands = 2 : i64, tpu.core_type = #tpu.core_type<sc_vector_subcore>, window_params = [{transform_indices = #map}, {transform_indices = #map1}]} {
    %mul3A = arith.constant 2 : i32
    %mul3A_0 = arith.muli %arg1, %mul3A : i32
    %add3A = arith.addi %mul3A_0, %arg0 : i32
    %broadcast_in_dim3A = arith.constant 0.000000e+00 : f32
    %broadcast_in_dim3A_1 = vector.broadcast %broadcast_in_dim3A : f32 to vector<16xf32>
    %scan3A = arith.constant 0 : i32
    %scan3A_2 = arith.constant 640 : i32
    %scan3A_3 = arith.addi %scan3A, %scan3A_2 : i32
    %scan3A_4 = arith.constant 1 : i32
    scf.for %scan3A_15 = %scan3A to %scan3A_3 step %scan3A_4  : i32 {
      %mul3A_16 = arith.constant 1 : i32
      %mul3A_17 = arith.muli %scan3A_15, %mul3A_16 : i32
      %add3A_18 = arith.constant 0 : i32
      %add3A_19 = arith.addi %add3A_18, %mul3A_17 : i32
      %mul3A_20 = arith.constant 16 : i32
      %mul3A_21 = arith.muli %add3A_19, %mul3A_20 : i32
      %swap3A = arith.index_cast %mul3A_21 : i32 to index
      %swap3A_22 = tpu.vector_load %arg4[%swap3A] {strides = array<i32>} : memref<10240xf32, #tpu.memory_space<vmem>>, vector<16xf32>,
      tpu.vector_store %arg4[%swap3A], %broadcast_in_dim3A_1 {strides = array<i32>} : memref<10240xf32, #tpu.memory_space<vmem>>, vector<16xf32>,
    }
    %scan3A_5 = arith.constant 640 : i32
    %mul3A_6 = arith.constant 10240 : i32
    %mul3A_7 = arith.muli %add3A, %mul3A_6 : i32
    "tpu.region"() ({
      %run_scoped3A = tpu.sem_alloc : memref<!tpu.dma_semaphore, #tpu.memory_space<semaphore_mem>>
      %dma_start3A = tpu.memref_slice %arg2[%mul3A_7] : memref<327680xi32, #tpu.memory_space<hbm>> -> memref<10240xi32, #tpu.memory_space<hbm>>
      %dma_start3A_15 = tpu.memref_slice %arg2[%mul3A_7] : memref<327680xi32, #tpu.memory_space<hbm>> -> memref<10240xi32, #tpu.memory_space<hbm>>
      tpu.enqueue_dma source(%dma_start3A_15 : memref<10240xi32, #tpu.memory_space<hbm>>) target(%arg5 : memref<10240xi32, #tpu.memory_space<vmem>>) target_semaphore(%run_scoped3A : memref<!tpu.dma_semaphore, #tpu.memory_space<semaphore_mem>>)
      %dma_wait3A = tpu.memref_slice %arg2[%mul3A_7] : memref<327680xi32, #tpu.memory_space<hbm>> -> memref<10240xi32, #tpu.memory_space<hbm>>
      %dma_wait3A_16 = tpu.memref_slice %arg2[%mul3A_7] : memref<327680xi32, #tpu.memory_space<hbm>> -> memref<10240xi32, #tpu.memory_space<hbm>>
      tpu.wait_dma2 semaphore(%run_scoped3A : memref<!tpu.dma_semaphore, #tpu.memory_space<semaphore_mem>>) src(%dma_wait3A_16 : memref<10240xi32, #tpu.memory_space<hbm>>) dst(%arg5 : memref<10240xi32, #tpu.memory_space<vmem>>)
      tpu.yield
    }) : () -> ()
    %broadcast_in_dim3A_8 = arith.constant 1.000000e+00 : f32
    %broadcast_in_dim3A_9 = vector.broadcast %broadcast_in_dim3A_8 : f32 to vector<16xf32>
    %scan3A_10 = arith.constant 0 : i32
    %scan3A_11 = arith.constant 640 : i32
    %scan3A_12 = arith.addi %scan3A_10, %scan3A_11 : i32
    %scan3A_13 = arith.constant 1 : i32
    scf.for %scan3A_15 = %scan3A_10 to %scan3A_12 step %scan3A_13  : i32 {
      %mul3A_16 = arith.constant 1 : i32
      %mul3A_17 = arith.muli %scan3A_15, %mul3A_16 : i32
      %add3A_18 = arith.constant 0 : i32
      %add3A_19 = arith.addi %add3A_18, %mul3A_17 : i32
      %mul3A_20 = arith.constant 16 : i32
      %mul3A_21 = arith.muli %add3A_19, %mul3A_20 : i32
      %get3A = arith.index_cast %mul3A_21 : i32 to index
      %get3A_22 = tpu.vector_load %arg5[%get3A] {strides = array<i32>} : memref<10240xi32, #tpu.memory_space<vmem>>, vector<16xi32>,
      tpu.vector_store_idx %arg4[%get3A_22], %broadcast_in_dim3A_9 {add = true} : memref<10240xf32, #tpu.memory_space<vmem>>[vector<16xi32>], vector<16xf32>,
    }
    %scan3A_14 = arith.constant 640 : i32
    "tpu.region"() ({
      %run_scoped3A = tpu.sem_alloc : memref<!tpu.dma_semaphore, #tpu.memory_space<semaphore_mem>>
      %dma_start3A = arith.constant 0 : i32
      %dma_start3A_15 = tpu.memref_slice %arg3[%add3A, %dma_start3A] : memref<32x10240xf32, #tpu.memory_space<hbm>> -> memref<1x10240xf32, #tpu.memory_space<hbm>>
      %dma_start3A_16 = tpu.memref_squeeze %dma_start3A_15 : memref<1x10240xf32, #tpu.memory_space<hbm>> -> memref<10240xf32, #tpu.memory_space<hbm>>
      %dma_start3A_17 = arith.constant 0 : i32
      %dma_start3A_18 = tpu.memref_slice %arg3[%add3A, %dma_start3A_17] : memref<32x10240xf32, #tpu.memory_space<hbm>> -> memref<1x10240xf32, #tpu.memory_space<hbm>>
      %dma_start3A_19 = tpu.memref_squeeze %dma_start3A_18 : memref<1x10240xf32, #tpu.memory_space<hbm>> -> memref<10240xf32, #tpu.memory_space<hbm>>
      tpu.enqueue_dma source(%arg4 : memref<10240xf32, #tpu.memory_space<vmem>>) target(%dma_start3A_19 : memref<10240xf32, #tpu.memory_space<hbm>>) target_semaphore(%run_scoped3A : memref<!tpu.dma_semaphore, #tpu.memory_space<semaphore_mem>>)
      %dma_wait3A = arith.constant 0 : i32
      %dma_wait3A_20 = tpu.memref_slice %arg3[%add3A, %dma_wait3A] : memref<32x10240xf32, #tpu.memory_space<hbm>> -> memref<1x10240xf32, #tpu.memory_space<hbm>>
      %dma_wait3A_21 = tpu.memref_squeeze %dma_wait3A_20 : memref<1x10240xf32, #tpu.memory_space<hbm>> -> memref<10240xf32, #tpu.memory_space<hbm>>
      %dma_wait3A_22 = arith.constant 0 : i32
      %dma_wait3A_23 = tpu.memref_slice %arg3[%add3A, %dma_wait3A_22] : memref<32x10240xf32, #tpu.memory_space<hbm>> -> memref<1x10240xf32, #tpu.memory_space<hbm>>
      %dma_wait3A_24 = tpu.memref_squeeze %dma_wait3A_23 : memref<1x10240xf32, #tpu.memory_space<hbm>> -> memref<10240xf32, #tpu.memory_space<hbm>>
      tpu.wait_dma2 semaphore(%run_scoped3A : memref<!tpu.dma_semaphore, #tpu.memory_space<semaphore_mem>>) src(%arg4 : memref<10240xf32, #tpu.memory_space<vmem>>) dst(%dma_wait3A_24 : memref<10240xf32, #tpu.memory_space<hbm>>)
      tpu.yield
    }) : () -> ()
    return
  }
}

#map = affine_map<(d0, d1) -> (0, 0)>
#map1 = affine_map<(d0, d1) -> (0, 0, 0)>
module attributes {stable_mosaic.version = 14 : i64} {
  func.func @_scat_body(%arg0: i32, %arg1: i32, %arg2: memref<10240x64xf32, #tpu.memory_space<hbm>>, %arg3: memref<32x80x128xi32, #tpu.memory_space<hbm>>, %arg4: memref<32x80x128xi32, #tpu.memory_space<hbm>>, %arg5: memref<20480x64xf32, #tpu.memory_space<hbm>>, %arg6: memref<80x128xi32, #tpu.memory_space<vmem>>, %arg7: memref<80x128xi32, #tpu.memory_space<vmem>>, %arg8: memref<128x64xf32, #tpu.memory_space<vmem>>, %arg9: memref<10240x64xf32, #tpu.memory_space<vmem_shared>>, %arg10: memref<64x64xf32, #tpu.memory_space<vmem>>, %arg11: memref<!tpu.dma_semaphore, #tpu.memory_space<semaphore_mem>>) attributes {dimension_semantics = [#tpu.dimension_semantics<core_parallel>, #tpu.dimension_semantics<subcore_parallel>], iteration_bounds = array<i64: 2, 16>, scalar_prefetch = 0 : i64, scratch_operands = 6 : i64, tpu.core_type = #tpu.core_type<sc_vector_subcore>, window_params = [{transform_indices = #map}, {transform_indices = #map1}, {transform_indices = #map1}, {transform_indices = #map}]} {
    %mul3A = arith.constant 2 : i32
    %mul3A_0 = arith.muli %arg1, %mul3A : i32
    %add3A = arith.addi %mul3A_0, %arg0 : i32
    %broadcast_in_dim3A = arith.constant 0.000000e+00 : f32
    %broadcast_in_dim3A_1 = vector.broadcast %broadcast_in_dim3A : f32 to vector<16xf32>
    %scan3A = arith.constant 0 : i32
    %scan3A_2 = arith.constant 64 : i32
    %scan3A_3 = arith.addi %scan3A, %scan3A_2 : i32
    %scan3A_4 = arith.constant 1 : i32
    scf.for %scan3A_24 = %scan3A to %scan3A_3 step %scan3A_4  : i32 {
      %mul3A_25 = arith.constant 1 : i32
      %mul3A_26 = arith.muli %scan3A_24, %mul3A_25 : i32
      %add3A_27 = arith.constant 0 : i32
      %add3A_28 = arith.addi %add3A_27, %mul3A_26 : i32
      %scan3A_29 = arith.constant 0 : i32
      %scan3A_30 = arith.constant 4 : i32
      %scan3A_31 = arith.addi %scan3A_29, %scan3A_30 : i32
      %scan3A_32 = arith.constant 1 : i32
      scf.for %scan3A_34 = %scan3A_29 to %scan3A_31 step %scan3A_32  : i32 {
        %mul3A_35 = arith.constant 1 : i32
        %mul3A_36 = arith.muli %scan3A_34, %mul3A_35 : i32
        %add3A_37 = arith.constant 0 : i32
        %add3A_38 = arith.addi %add3A_37, %mul3A_36 : i32
        %mul3A_39 = arith.constant 16 : i32
        %mul3A_40 = arith.muli %add3A_38, %mul3A_39 : i32
        %swap3A = arith.index_cast %add3A_28 : i32 to index
        %swap3A_41 = arith.index_cast %mul3A_40 : i32 to index
        %swap3A_42 = tpu.vector_load %arg10[%swap3A, %swap3A_41] {strides = array<i32>} : memref<64x64xf32, #tpu.memory_space<vmem>>, vector<1x16xf32>,
        %swap3A_43 = vector.shape_cast %swap3A_42 : vector<1x16xf32> to vector<16xf32>
        %swap3A_44 = vector.shape_cast %broadcast_in_dim3A_1 : vector<16xf32> to vector<1x16xf32>
        tpu.vector_store %arg10[%swap3A, %swap3A_41], %swap3A_44 {strides = array<i32>} : memref<64x64xf32, #tpu.memory_space<vmem>>, vector<1x16xf32>,
      }
      %scan3A_33 = arith.constant 4 : i32
    }
    %scan3A_5 = arith.constant 64 : i32
    %scan3A_6 = arith.constant 0 : i32
    %scan3A_7 = arith.constant 10 : i32
    %scan3A_8 = arith.addi %scan3A_6, %scan3A_7 : i32
    %scan3A_9 = arith.constant 1 : i32
    scf.for %scan3A_24 = %scan3A_6 to %scan3A_8 step %scan3A_9  : i32 {
      %mul3A_25 = arith.constant 1 : i32
      %mul3A_26 = arith.muli %scan3A_24, %mul3A_25 : i32
      %add3A_27 = arith.constant 0 : i32
      %add3A_28 = arith.addi %add3A_27, %mul3A_26 : i32
      %mul3A_29 = arith.constant 640 : i32
      %mul3A_30 = arith.muli %arg1, %mul3A_29 : i32
      %mul3A_31 = arith.constant 64 : i32
      %mul3A_32 = arith.muli %add3A_28, %mul3A_31 : i32
      %add3A_33 = arith.addi %mul3A_30, %mul3A_32 : i32
      "tpu.region"() ({
        %run_scoped3A = tpu.sem_alloc : memref<!tpu.dma_semaphore, #tpu.memory_space<semaphore_mem>>
        %dma_start3A = arith.constant 0 : i32
        %dma_start3A_34 = tpu.memref_slice %arg9[%add3A_33, %dma_start3A] : memref<10240x64xf32, #tpu.memory_space<vmem_shared>> -> memref<64x64xf32, #tpu.memory_space<vmem_shared>>
        %dma_start3A_35 = arith.constant 0 : i32
        %dma_start3A_36 = tpu.memref_slice %arg9[%add3A_33, %dma_start3A_35] : memref<10240x64xf32, #tpu.memory_space<vmem_shared>> -> memref<64x64xf32, #tpu.memory_space<vmem_shared>>
        tpu.enqueue_dma source(%arg10 : memref<64x64xf32, #tpu.memory_space<vmem>>) target(%dma_start3A_36 : memref<64x64xf32, #tpu.memory_space<vmem_shared>>) target_semaphore(%run_scoped3A : memref<!tpu.dma_semaphore, #tpu.memory_space<semaphore_mem>>)
        %dma_wait3A = arith.constant 0 : i32
        %dma_wait3A_37 = tpu.memref_slice %arg9[%add3A_33, %dma_wait3A] : memref<10240x64xf32, #tpu.memory_space<vmem_shared>> -> memref<64x64xf32, #tpu.memory_space<vmem_shared>>
        %dma_wait3A_38 = arith.constant 0 : i32
        %dma_wait3A_39 = tpu.memref_slice %arg9[%add3A_33, %dma_wait3A_38] : memref<10240x64xf32, #tpu.memory_space<vmem_shared>> -> memref<64x64xf32, #tpu.memory_space<vmem_shared>>
        tpu.wait_dma2 semaphore(%run_scoped3A : memref<!tpu.dma_semaphore, #tpu.memory_space<semaphore_mem>>) src(%arg10 : memref<64x64xf32, #tpu.memory_space<vmem>>) dst(%dma_wait3A_39 : memref<64x64xf32, #tpu.memory_space<vmem_shared>>)
        tpu.yield
      }) : () -> ()
    }
    %scan3A_10 = arith.constant 10 : i32
    "tpu.region"() ({
      %run_scoped3A = tpu.sem_alloc : memref<!tpu.dma_semaphore, #tpu.memory_space<semaphore_mem>>
      %dma_start3A = arith.constant 0 : i32
      %dma_start3A_24 = arith.constant 0 : i32
      %dma_start3A_25 = tpu.memref_slice %arg3[%add3A, %dma_start3A, %dma_start3A_24] : memref<32x80x128xi32, #tpu.memory_space<hbm>> -> memref<1x80x128xi32, #tpu.memory_space<hbm>>
      %dma_start3A_26 = tpu.memref_squeeze %dma_start3A_25 : memref<1x80x128xi32, #tpu.memory_space<hbm>> -> memref<80x128xi32, #tpu.memory_space<hbm>>
      %dma_start3A_27 = arith.constant 0 : i32
      %dma_start3A_28 = arith.constant 0 : i32
      %dma_start3A_29 = tpu.memref_slice %arg3[%add3A, %dma_start3A_27, %dma_start3A_28] : memref<32x80x128xi32, #tpu.memory_space<hbm>> -> memref<1x80x128xi32, #tpu.memory_space<hbm>>
      %dma_start3A_30 = tpu.memref_squeeze %dma_start3A_29 : memref<1x80x128xi32, #tpu.memory_space<hbm>> -> memref<80x128xi32, #tpu.memory_space<hbm>>
      tpu.enqueue_dma source(%dma_start3A_30 : memref<80x128xi32, #tpu.memory_space<hbm>>) target(%arg6 : memref<80x128xi32, #tpu.memory_space<vmem>>) target_semaphore(%run_scoped3A : memref<!tpu.dma_semaphore, #tpu.memory_space<semaphore_mem>>)
      %dma_wait3A = arith.constant 0 : i32
      %dma_wait3A_31 = arith.constant 0 : i32
      %dma_wait3A_32 = tpu.memref_slice %arg3[%add3A, %dma_wait3A, %dma_wait3A_31] : memref<32x80x128xi32, #tpu.memory_space<hbm>> -> memref<1x80x128xi32, #tpu.memory_space<hbm>>
      %dma_wait3A_33 = tpu.memref_squeeze %dma_wait3A_32 : memref<1x80x128xi32, #tpu.memory_space<hbm>> -> memref<80x128xi32, #tpu.memory_space<hbm>>
      %dma_wait3A_34 = arith.constant 0 : i32
      %dma_wait3A_35 = arith.constant 0 : i32
      %dma_wait3A_36 = tpu.memref_slice %arg3[%add3A, %dma_wait3A_34, %dma_wait3A_35] : memref<32x80x128xi32, #tpu.memory_space<hbm>> -> memref<1x80x128xi32, #tpu.memory_space<hbm>>
      %dma_wait3A_37 = tpu.memref_squeeze %dma_wait3A_36 : memref<1x80x128xi32, #tpu.memory_space<hbm>> -> memref<80x128xi32, #tpu.memory_space<hbm>>
      tpu.wait_dma2 semaphore(%run_scoped3A : memref<!tpu.dma_semaphore, #tpu.memory_space<semaphore_mem>>) src(%dma_wait3A_37 : memref<80x128xi32, #tpu.memory_space<hbm>>) dst(%arg6 : memref<80x128xi32, #tpu.memory_space<vmem>>)
      tpu.yield
    }) : () -> ()
    "tpu.region"() ({
      %run_scoped3A = tpu.sem_alloc : memref<!tpu.dma_semaphore, #tpu.memory_space<semaphore_mem>>
      %dma_start3A = arith.constant 0 : i32
      %dma_start3A_24 = arith.constant 0 : i32
      %dma_start3A_25 = tpu.memref_slice %arg4[%add3A, %dma_start3A, %dma_start3A_24] : memref<32x80x128xi32, #tpu.memory_space<hbm>> -> memref<1x80x128xi32, #tpu.memory_space<hbm>>
      %dma_start3A_26 = tpu.memref_squeeze %dma_start3A_25 : memref<1x80x128xi32, #tpu.memory_space<hbm>> -> memref<80x128xi32, #tpu.memory_space<hbm>>
      %dma_start3A_27 = arith.constant 0 : i32
      %dma_start3A_28 = arith.constant 0 : i32
      %dma_start3A_29 = tpu.memref_slice %arg4[%add3A, %dma_start3A_27, %dma_start3A_28] : memref<32x80x128xi32, #tpu.memory_space<hbm>> -> memref<1x80x128xi32, #tpu.memory_space<hbm>>
      %dma_start3A_30 = tpu.memref_squeeze %dma_start3A_29 : memref<1x80x128xi32, #tpu.memory_space<hbm>> -> memref<80x128xi32, #tpu.memory_space<hbm>>
      tpu.enqueue_dma source(%dma_start3A_30 : memref<80x128xi32, #tpu.memory_space<hbm>>) target(%arg7 : memref<80x128xi32, #tpu.memory_space<vmem>>) target_semaphore(%run_scoped3A : memref<!tpu.dma_semaphore, #tpu.memory_space<semaphore_mem>>)
      %dma_wait3A = arith.constant 0 : i32
      %dma_wait3A_31 = arith.constant 0 : i32
      %dma_wait3A_32 = tpu.memref_slice %arg4[%add3A, %dma_wait3A, %dma_wait3A_31] : memref<32x80x128xi32, #tpu.memory_space<hbm>> -> memref<1x80x128xi32, #tpu.memory_space<hbm>>
      %dma_wait3A_33 = tpu.memref_squeeze %dma_wait3A_32 : memref<1x80x128xi32, #tpu.memory_space<hbm>> -> memref<80x128xi32, #tpu.memory_space<hbm>>
      %dma_wait3A_34 = arith.constant 0 : i32
      %dma_wait3A_35 = arith.constant 0 : i32
      %dma_wait3A_36 = tpu.memref_slice %arg4[%add3A, %dma_wait3A_34, %dma_wait3A_35] : memref<32x80x128xi32, #tpu.memory_space<hbm>> -> memref<1x80x128xi32, #tpu.memory_space<hbm>>
      %dma_wait3A_37 = tpu.memref_squeeze %dma_wait3A_36 : memref<1x80x128xi32, #tpu.memory_space<hbm>> -> memref<80x128xi32, #tpu.memory_space<hbm>>
      tpu.wait_dma2 semaphore(%run_scoped3A : memref<!tpu.dma_semaphore, #tpu.memory_space<semaphore_mem>>) src(%dma_wait3A_37 : memref<80x128xi32, #tpu.memory_space<hbm>>) dst(%arg7 : memref<80x128xi32, #tpu.memory_space<vmem>>)
      tpu.yield
    }) : () -> ()
    %barrier3A = arith.constant 0 : index
    tpu.barrier barrier_id(%barrier3A)
    %scan3A_11 = arith.constant 0 : i32
    %scan3A_12 = arith.constant 80 : i32
    %scan3A_13 = arith.addi %scan3A_11, %scan3A_12 : i32
    %scan3A_14 = arith.constant 1 : i32
    scf.for %scan3A_24 = %scan3A_11 to %scan3A_13 step %scan3A_14  : i32 {
      %mul3A_25 = arith.constant 1 : i32
      %mul3A_26 = arith.muli %scan3A_24, %mul3A_25 : i32
      %add3A_27 = arith.constant 0 : i32
      %add3A_28 = arith.addi %add3A_27, %mul3A_26 : i32
      %dma_start3A = arith.constant 0 : i32
      %dma_start3A_29 = tpu.memref_slice %arg6[%add3A_28, %dma_start3A] : memref<80x128xi32, #tpu.memory_space<vmem>> -> memref<1x128xi32, #tpu.memory_space<vmem>>
      %dma_start3A_30 = tpu.memref_squeeze %dma_start3A_29 : memref<1x128xi32, #tpu.memory_space<vmem>> -> memref<128xi32, #tpu.memory_space<vmem>>
      %dma_start3A_31 = arith.constant 0 : i32
      %dma_start3A_32 = arith.constant 0 : i32
      %dma_start3A_33 = tpu.memref_slice %arg2[%dma_start3A_31, %dma_start3A_32] : memref<10240x64xf32, #tpu.memory_space<hbm>> -> memref<10240x64xf32, #tpu.memory_space<hbm>>
      tpu.enqueue_indirect_dma source(%dma_start3A_33 : memref<10240x64xf32, #tpu.memory_space<hbm>>) target(%arg8 : memref<128x64xf32, #tpu.memory_space<vmem>>) offsets(%dma_start3A_30 : memref<128xi32, #tpu.memory_space<vmem>>) semaphore(%arg11 : memref<!tpu.dma_semaphore, #tpu.memory_space<semaphore_mem>>)
      %dma_wait3A = arith.constant 0 : i32
      %dma_wait3A_34 = tpu.memref_slice %arg6[%add3A_28, %dma_wait3A] : memref<80x128xi32, #tpu.memory_space<vmem>> -> memref<1x128xi32, #tpu.memory_space<vmem>>
      %dma_wait3A_35 = tpu.memref_squeeze %dma_wait3A_34 : memref<1x128xi32, #tpu.memory_space<vmem>> -> memref<128xi32, #tpu.memory_space<vmem>>
      %dma_wait3A_36 = arith.constant 0 : i32
      %dma_wait3A_37 = arith.constant 0 : i32
      %dma_wait3A_38 = tpu.memref_slice %arg2[%dma_wait3A_36, %dma_wait3A_37] : memref<10240x64xf32, #tpu.memory_space<hbm>> -> memref<10240x64xf32, #tpu.memory_space<hbm>>
      tpu.wait_indirect_dma semaphore(%arg11 : memref<!tpu.dma_semaphore, #tpu.memory_space<semaphore_mem>>) src(%dma_wait3A_38 : memref<10240x64xf32, #tpu.memory_space<hbm>>) dst(%arg8 : memref<128x64xf32, #tpu.memory_space<vmem>>)
      "tpu.region"() ({
        %run_scoped3A = tpu.sem_alloc : memref<!tpu.dma_semaphore, #tpu.memory_space<semaphore_mem>>
        %dma_start3A_39 = arith.constant 0 : i32
        %dma_start3A_40 = tpu.memref_slice %arg7[%add3A_28, %dma_start3A_39] : memref<80x128xi32, #tpu.memory_space<vmem>> -> memref<1x128xi32, #tpu.memory_space<vmem>>
        %dma_start3A_41 = tpu.memref_squeeze %dma_start3A_40 : memref<1x128xi32, #tpu.memory_space<vmem>> -> memref<128xi32, #tpu.memory_space<vmem>>
        %dma_start3A_42 = arith.constant 0 : i32
        %dma_start3A_43 = arith.constant 0 : i32
        %dma_start3A_44 = tpu.memref_slice %arg9[%dma_start3A_42, %dma_start3A_43] : memref<10240x64xf32, #tpu.memory_space<vmem_shared>> -> memref<10240x64xf32, #tpu.memory_space<vmem_shared>>
        tpu.enqueue_indirect_dma source(%arg8 : memref<128x64xf32, #tpu.memory_space<vmem>>) target(%dma_start3A_44 : memref<10240x64xf32, #tpu.memory_space<vmem_shared>>) offsets(%dma_start3A_41 : memref<128xi32, #tpu.memory_space<vmem>>) semaphore(%run_scoped3A : memref<!tpu.dma_semaphore, #tpu.memory_space<semaphore_mem>>) {add = true}
        %dma_wait3A_45 = arith.constant 0 : i32
        %dma_wait3A_46 = tpu.memref_slice %arg7[%add3A_28, %dma_wait3A_45] : memref<80x128xi32, #tpu.memory_space<vmem>> -> memref<1x128xi32, #tpu.memory_space<vmem>>
        %dma_wait3A_47 = tpu.memref_squeeze %dma_wait3A_46 : memref<1x128xi32, #tpu.memory_space<vmem>> -> memref<128xi32, #tpu.memory_space<vmem>>
        %dma_wait3A_48 = arith.constant 0 : i32
        %dma_wait3A_49 = arith.constant 0 : i32
        %dma_wait3A_50 = tpu.memref_slice %arg9[%dma_wait3A_48, %dma_wait3A_49] : memref<10240x64xf32, #tpu.memory_space<vmem_shared>> -> memref<10240x64xf32, #tpu.memory_space<vmem_shared>>
        tpu.wait_indirect_dma semaphore(%run_scoped3A : memref<!tpu.dma_semaphore, #tpu.memory_space<semaphore_mem>>) src(%arg8 : memref<128x64xf32, #tpu.memory_space<vmem>>) dst(%dma_wait3A_50 : memref<10240x64xf32, #tpu.memory_space<vmem_shared>>)
        tpu.yield
      }) : () -> ()
    }
    %scan3A_15 = arith.constant 80 : i32
    %barrier3A_16 = arith.constant 0 : index
    tpu.barrier barrier_id(%barrier3A_16)
    %mul3A_17 = arith.constant 640 : i32
    %mul3A_18 = arith.muli %arg1, %mul3A_17 : i32
    %mul3A_19 = arith.constant 10240 : i32
    %mul3A_20 = arith.muli %arg0, %mul3A_19 : i32
    %mul3A_21 = arith.constant 640 : i32
    %mul3A_22 = arith.muli %arg1, %mul3A_21 : i32
    %add3A_23 = arith.addi %mul3A_20, %mul3A_22 : i32
    "tpu.region"() ({
      %run_scoped3A = tpu.sem_alloc : memref<!tpu.dma_semaphore, #tpu.memory_space<semaphore_mem>>
      %dma_start3A = arith.constant 0 : i32
      %dma_start3A_24 = tpu.memref_slice %arg5[%add3A_23, %dma_start3A] : memref<20480x64xf32, #tpu.memory_space<hbm>> -> memref<640x64xf32, #tpu.memory_space<hbm>>
      %dma_start3A_25 = arith.constant 0 : i32
      %dma_start3A_26 = tpu.memref_slice %arg9[%mul3A_18, %dma_start3A_25] : memref<10240x64xf32, #tpu.memory_space<vmem_shared>> -> memref<640x64xf32, #tpu.memory_space<vmem_shared>>
      tpu.enqueue_dma source(%dma_start3A_26 : memref<640x64xf32, #tpu.memory_space<vmem_shared>>) target(%dma_start3A_24 : memref<640x64xf32, #tpu.memory_space<hbm>>) target_semaphore(%run_scoped3A : memref<!tpu.dma_semaphore, #tpu.memory_space<semaphore_mem>>)
      %dma_wait3A = arith.constant 0 : i32
      %dma_wait3A_27 = tpu.memref_slice %arg5[%add3A_23, %dma_wait3A] : memref<20480x64xf32, #tpu.memory_space<hbm>> -> memref<640x64xf32, #tpu.memory_space<hbm>>
      %dma_wait3A_28 = arith.constant 0 : i32
      %dma_wait3A_29 = tpu.memref_slice %arg9[%mul3A_18, %dma_wait3A_28] : memref<10240x64xf32, #tpu.memory_space<vmem_shared>> -> memref<640x64xf32, #tpu.memory_space<vmem_shared>>
      tpu.wait_dma2 semaphore(%run_scoped3A : memref<!tpu.dma_semaphore, #tpu.memory_space<semaphore_mem>>) src(%dma_wait3A_29 : memref<640x64xf32, #tpu.memory_space<vmem_shared>>) dst(%dma_wait3A_27 : memref<640x64xf32, #tpu.memory_space<hbm>>)
      tpu.yield
    }) : () -> ()
    return
  }
}

#map = affine_map<(d0, d1) -> (0, 0)>
#map1 = affine_map<(d0, d1) -> (0, 0, 0)>
module attributes {stable_mosaic.version = 14 : i64} {
  func.func @_scat_body(%arg0: i32, %arg1: i32, %arg2: memref<10240x64xf32, #tpu.memory_space<hbm>>, %arg3: memref<32x80x128xi32, #tpu.memory_space<hbm>>, %arg4: memref<32x80x128xi32, #tpu.memory_space<hbm>>, %arg5: memref<20480x64xf32, #tpu.memory_space<hbm>>, %arg6: memref<80x128xi32, #tpu.memory_space<vmem>>, %arg7: memref<80x128xi32, #tpu.memory_space<vmem>>, %arg8: memref<128x64xf32, #tpu.memory_space<vmem>>, %arg9: memref<10240x64xf32, #tpu.memory_space<vmem_shared>>, %arg10: memref<64x64xf32, #tpu.memory_space<vmem>>, %arg11: memref<!tpu.dma_semaphore, #tpu.memory_space<semaphore_mem>>) attributes {dimension_semantics = [#tpu.dimension_semantics<core_parallel>, #tpu.dimension_semantics<subcore_parallel>], iteration_bounds = array<i64: 2, 16>, scalar_prefetch = 0 : i64, scratch_operands = 6 : i64, tpu.core_type = #tpu.core_type<sc_vector_subcore>, window_params = [{transform_indices = #map}, {transform_indices = #map1}, {transform_indices = #map1}, {transform_indices = #map}]} {
    %mul3A = arith.constant 2 : i32
    %mul3A_0 = arith.muli %arg1, %mul3A : i32
    %add3A = arith.addi %mul3A_0, %arg0 : i32
    %broadcast_in_dim3A = arith.constant 0.000000e+00 : f32
    %broadcast_in_dim3A_1 = vector.broadcast %broadcast_in_dim3A : f32 to vector<16xf32>
    %scan3A = arith.constant 0 : i32
    %scan3A_2 = arith.constant 64 : i32
    %scan3A_3 = arith.addi %scan3A, %scan3A_2 : i32
    %scan3A_4 = arith.constant 1 : i32
    scf.for %scan3A_24 = %scan3A to %scan3A_3 step %scan3A_4  : i32 {
      %mul3A_25 = arith.constant 1 : i32
      %mul3A_26 = arith.muli %scan3A_24, %mul3A_25 : i32
      %add3A_27 = arith.constant 0 : i32
      %add3A_28 = arith.addi %add3A_27, %mul3A_26 : i32
      %scan3A_29 = arith.constant 0 : i32
      %scan3A_30 = arith.constant 4 : i32
      %scan3A_31 = arith.addi %scan3A_29, %scan3A_30 : i32
      %scan3A_32 = arith.constant 1 : i32
      scf.for %scan3A_34 = %scan3A_29 to %scan3A_31 step %scan3A_32  : i32 {
        %mul3A_35 = arith.constant 1 : i32
        %mul3A_36 = arith.muli %scan3A_34, %mul3A_35 : i32
        %add3A_37 = arith.constant 0 : i32
        %add3A_38 = arith.addi %add3A_37, %mul3A_36 : i32
        %mul3A_39 = arith.constant 16 : i32
        %mul3A_40 = arith.muli %add3A_38, %mul3A_39 : i32
        %swap3A = arith.index_cast %add3A_28 : i32 to index
        %swap3A_41 = arith.index_cast %mul3A_40 : i32 to index
        %swap3A_42 = tpu.vector_load %arg10[%swap3A, %swap3A_41] {strides = array<i32>} : memref<64x64xf32, #tpu.memory_space<vmem>>, vector<1x16xf32>,
        %swap3A_43 = vector.shape_cast %swap3A_42 : vector<1x16xf32> to vector<16xf32>
        %swap3A_44 = vector.shape_cast %broadcast_in_dim3A_1 : vector<16xf32> to vector<1x16xf32>
        tpu.vector_store %arg10[%swap3A, %swap3A_41], %swap3A_44 {strides = array<i32>} : memref<64x64xf32, #tpu.memory_space<vmem>>, vector<1x16xf32>,
      }
      %scan3A_33 = arith.constant 4 : i32
    }
    %scan3A_5 = arith.constant 64 : i32
    %scan3A_6 = arith.constant 0 : i32
    %scan3A_7 = arith.constant 10 : i32
    %scan3A_8 = arith.addi %scan3A_6, %scan3A_7 : i32
    %scan3A_9 = arith.constant 1 : i32
    scf.for %scan3A_24 = %scan3A_6 to %scan3A_8 step %scan3A_9  : i32 {
      %mul3A_25 = arith.constant 1 : i32
      %mul3A_26 = arith.muli %scan3A_24, %mul3A_25 : i32
      %add3A_27 = arith.constant 0 : i32
      %add3A_28 = arith.addi %add3A_27, %mul3A_26 : i32
      %mul3A_29 = arith.constant 640 : i32
      %mul3A_30 = arith.muli %arg1, %mul3A_29 : i32
      %mul3A_31 = arith.constant 64 : i32
      %mul3A_32 = arith.muli %add3A_28, %mul3A_31 : i32
      %add3A_33 = arith.addi %mul3A_30, %mul3A_32 : i32
      "tpu.region"() ({
        %run_scoped3A = tpu.sem_alloc : memref<!tpu.dma_semaphore, #tpu.memory_space<semaphore_mem>>
        %dma_start3A = arith.constant 0 : i32
        %dma_start3A_34 = tpu.memref_slice %arg9[%add3A_33, %dma_start3A] : memref<10240x64xf32, #tpu.memory_space<vmem_shared>> -> memref<64x64xf32, #tpu.memory_space<vmem_shared>>
        %dma_start3A_35 = arith.constant 0 : i32
        %dma_start3A_36 = tpu.memref_slice %arg9[%add3A_33, %dma_start3A_35] : memref<10240x64xf32, #tpu.memory_space<vmem_shared>> -> memref<64x64xf32, #tpu.memory_space<vmem_shared>>
        tpu.enqueue_dma source(%arg10 : memref<64x64xf32, #tpu.memory_space<vmem>>) target(%dma_start3A_36 : memref<64x64xf32, #tpu.memory_space<vmem_shared>>) target_semaphore(%run_scoped3A : memref<!tpu.dma_semaphore, #tpu.memory_space<semaphore_mem>>)
        %dma_wait3A = arith.constant 0 : i32
        %dma_wait3A_37 = tpu.memref_slice %arg9[%add3A_33, %dma_wait3A] : memref<10240x64xf32, #tpu.memory_space<vmem_shared>> -> memref<64x64xf32, #tpu.memory_space<vmem_shared>>
        %dma_wait3A_38 = arith.constant 0 : i32
        %dma_wait3A_39 = tpu.memref_slice %arg9[%add3A_33, %dma_wait3A_38] : memref<10240x64xf32, #tpu.memory_space<vmem_shared>> -> memref<64x64xf32, #tpu.memory_space<vmem_shared>>
        tpu.wait_dma2 semaphore(%run_scoped3A : memref<!tpu.dma_semaphore, #tpu.memory_space<semaphore_mem>>) src(%arg10 : memref<64x64xf32, #tpu.memory_space<vmem>>) dst(%dma_wait3A_39 : memref<64x64xf32, #tpu.memory_space<vmem_shared>>)
        tpu.yield
      }) : () -> ()
    }
    %scan3A_10 = arith.constant 10 : i32
    "tpu.region"() ({
      %run_scoped3A = tpu.sem_alloc : memref<!tpu.dma_semaphore, #tpu.memory_space<semaphore_mem>>
      %dma_start3A = arith.constant 0 : i32
      %dma_start3A_24 = arith.constant 0 : i32
      %dma_start3A_25 = tpu.memref_slice %arg3[%add3A, %dma_start3A, %dma_start3A_24] : memref<32x80x128xi32, #tpu.memory_space<hbm>> -> memref<1x80x128xi32, #tpu.memory_space<hbm>>
      %dma_start3A_26 = tpu.memref_squeeze %dma_start3A_25 : memref<1x80x128xi32, #tpu.memory_space<hbm>> -> memref<80x128xi32, #tpu.memory_space<hbm>>
      %dma_start3A_27 = arith.constant 0 : i32
      %dma_start3A_28 = arith.constant 0 : i32
      %dma_start3A_29 = tpu.memref_slice %arg3[%add3A, %dma_start3A_27, %dma_start3A_28] : memref<32x80x128xi32, #tpu.memory_space<hbm>> -> memref<1x80x128xi32, #tpu.memory_space<hbm>>
      %dma_start3A_30 = tpu.memref_squeeze %dma_start3A_29 : memref<1x80x128xi32, #tpu.memory_space<hbm>> -> memref<80x128xi32, #tpu.memory_space<hbm>>
      tpu.enqueue_dma source(%dma_start3A_30 : memref<80x128xi32, #tpu.memory_space<hbm>>) target(%arg6 : memref<80x128xi32, #tpu.memory_space<vmem>>) target_semaphore(%run_scoped3A : memref<!tpu.dma_semaphore, #tpu.memory_space<semaphore_mem>>)
      %dma_wait3A = arith.constant 0 : i32
      %dma_wait3A_31 = arith.constant 0 : i32
      %dma_wait3A_32 = tpu.memref_slice %arg3[%add3A, %dma_wait3A, %dma_wait3A_31] : memref<32x80x128xi32, #tpu.memory_space<hbm>> -> memref<1x80x128xi32, #tpu.memory_space<hbm>>
      %dma_wait3A_33 = tpu.memref_squeeze %dma_wait3A_32 : memref<1x80x128xi32, #tpu.memory_space<hbm>> -> memref<80x128xi32, #tpu.memory_space<hbm>>
      %dma_wait3A_34 = arith.constant 0 : i32
      %dma_wait3A_35 = arith.constant 0 : i32
      %dma_wait3A_36 = tpu.memref_slice %arg3[%add3A, %dma_wait3A_34, %dma_wait3A_35] : memref<32x80x128xi32, #tpu.memory_space<hbm>> -> memref<1x80x128xi32, #tpu.memory_space<hbm>>
      %dma_wait3A_37 = tpu.memref_squeeze %dma_wait3A_36 : memref<1x80x128xi32, #tpu.memory_space<hbm>> -> memref<80x128xi32, #tpu.memory_space<hbm>>
      tpu.wait_dma2 semaphore(%run_scoped3A : memref<!tpu.dma_semaphore, #tpu.memory_space<semaphore_mem>>) src(%dma_wait3A_37 : memref<80x128xi32, #tpu.memory_space<hbm>>) dst(%arg6 : memref<80x128xi32, #tpu.memory_space<vmem>>)
      tpu.yield
    }) : () -> ()
    "tpu.region"() ({
      %run_scoped3A = tpu.sem_alloc : memref<!tpu.dma_semaphore, #tpu.memory_space<semaphore_mem>>
      %dma_start3A = arith.constant 0 : i32
      %dma_start3A_24 = arith.constant 0 : i32
      %dma_start3A_25 = tpu.memref_slice %arg4[%add3A, %dma_start3A, %dma_start3A_24] : memref<32x80x128xi32, #tpu.memory_space<hbm>> -> memref<1x80x128xi32, #tpu.memory_space<hbm>>
      %dma_start3A_26 = tpu.memref_squeeze %dma_start3A_25 : memref<1x80x128xi32, #tpu.memory_space<hbm>> -> memref<80x128xi32, #tpu.memory_space<hbm>>
      %dma_start3A_27 = arith.constant 0 : i32
      %dma_start3A_28 = arith.constant 0 : i32
      %dma_start3A_29 = tpu.memref_slice %arg4[%add3A, %dma_start3A_27, %dma_start3A_28] : memref<32x80x128xi32, #tpu.memory_space<hbm>> -> memref<1x80x128xi32, #tpu.memory_space<hbm>>
      %dma_start3A_30 = tpu.memref_squeeze %dma_start3A_29 : memref<1x80x128xi32, #tpu.memory_space<hbm>> -> memref<80x128xi32, #tpu.memory_space<hbm>>
      tpu.enqueue_dma source(%dma_start3A_30 : memref<80x128xi32, #tpu.memory_space<hbm>>) target(%arg7 : memref<80x128xi32, #tpu.memory_space<vmem>>) target_semaphore(%run_scoped3A : memref<!tpu.dma_semaphore, #tpu.memory_space<semaphore_mem>>)
      %dma_wait3A = arith.constant 0 : i32
      %dma_wait3A_31 = arith.constant 0 : i32
      %dma_wait3A_32 = tpu.memref_slice %arg4[%add3A, %dma_wait3A, %dma_wait3A_31] : memref<32x80x128xi32, #tpu.memory_space<hbm>> -> memref<1x80x128xi32, #tpu.memory_space<hbm>>
      %dma_wait3A_33 = tpu.memref_squeeze %dma_wait3A_32 : memref<1x80x128xi32, #tpu.memory_space<hbm>> -> memref<80x128xi32, #tpu.memory_space<hbm>>
      %dma_wait3A_34 = arith.constant 0 : i32
      %dma_wait3A_35 = arith.constant 0 : i32
      %dma_wait3A_36 = tpu.memref_slice %arg4[%add3A, %dma_wait3A_34, %dma_wait3A_35] : memref<32x80x128xi32, #tpu.memory_space<hbm>> -> memref<1x80x128xi32, #tpu.memory_space<hbm>>
      %dma_wait3A_37 = tpu.memref_squeeze %dma_wait3A_36 : memref<1x80x128xi32, #tpu.memory_space<hbm>> -> memref<80x128xi32, #tpu.memory_space<hbm>>
      tpu.wait_dma2 semaphore(%run_scoped3A : memref<!tpu.dma_semaphore, #tpu.memory_space<semaphore_mem>>) src(%dma_wait3A_37 : memref<80x128xi32, #tpu.memory_space<hbm>>) dst(%arg7 : memref<80x128xi32, #tpu.memory_space<vmem>>)
      tpu.yield
    }) : () -> ()
    %barrier3A = arith.constant 0 : index
    tpu.barrier barrier_id(%barrier3A)
    %scan3A_11 = arith.constant 0 : i32
    %scan3A_12 = arith.constant 80 : i32
    %scan3A_13 = arith.addi %scan3A_11, %scan3A_12 : i32
    %scan3A_14 = arith.constant 1 : i32
    scf.for %scan3A_24 = %scan3A_11 to %scan3A_13 step %scan3A_14  : i32 {
      %mul3A_25 = arith.constant 1 : i32
      %mul3A_26 = arith.muli %scan3A_24, %mul3A_25 : i32
      %add3A_27 = arith.constant 0 : i32
      %add3A_28 = arith.addi %add3A_27, %mul3A_26 : i32
      %dma_start3A = arith.constant 0 : i32
      %dma_start3A_29 = tpu.memref_slice %arg6[%add3A_28, %dma_start3A] : memref<80x128xi32, #tpu.memory_space<vmem>> -> memref<1x128xi32, #tpu.memory_space<vmem>>
      %dma_start3A_30 = tpu.memref_squeeze %dma_start3A_29 : memref<1x128xi32, #tpu.memory_space<vmem>> -> memref<128xi32, #tpu.memory_space<vmem>>
      %dma_start3A_31 = arith.constant 0 : i32
      %dma_start3A_32 = arith.constant 0 : i32
      %dma_start3A_33 = tpu.memref_slice %arg2[%dma_start3A_31, %dma_start3A_32] : memref<10240x64xf32, #tpu.memory_space<hbm>> -> memref<10240x64xf32, #tpu.memory_space<hbm>>
      tpu.enqueue_indirect_dma source(%dma_start3A_33 : memref<10240x64xf32, #tpu.memory_space<hbm>>) target(%arg8 : memref<128x64xf32, #tpu.memory_space<vmem>>) offsets(%dma_start3A_30 : memref<128xi32, #tpu.memory_space<vmem>>) semaphore(%arg11 : memref<!tpu.dma_semaphore, #tpu.memory_space<semaphore_mem>>)
      %dma_wait3A = arith.constant 0 : i32
      %dma_wait3A_34 = tpu.memref_slice %arg6[%add3A_28, %dma_wait3A] : memref<80x128xi32, #tpu.memory_space<vmem>> -> memref<1x128xi32, #tpu.memory_space<vmem>>
      %dma_wait3A_35 = tpu.memref_squeeze %dma_wait3A_34 : memref<1x128xi32, #tpu.memory_space<vmem>> -> memref<128xi32, #tpu.memory_space<vmem>>
      %dma_wait3A_36 = arith.constant 0 : i32
      %dma_wait3A_37 = arith.constant 0 : i32
      %dma_wait3A_38 = tpu.memref_slice %arg2[%dma_wait3A_36, %dma_wait3A_37] : memref<10240x64xf32, #tpu.memory_space<hbm>> -> memref<10240x64xf32, #tpu.memory_space<hbm>>
      tpu.wait_indirect_dma semaphore(%arg11 : memref<!tpu.dma_semaphore, #tpu.memory_space<semaphore_mem>>) src(%dma_wait3A_38 : memref<10240x64xf32, #tpu.memory_space<hbm>>) dst(%arg8 : memref<128x64xf32, #tpu.memory_space<vmem>>)
      "tpu.region"() ({
        %run_scoped3A = tpu.sem_alloc : memref<!tpu.dma_semaphore, #tpu.memory_space<semaphore_mem>>
        %dma_start3A_39 = arith.constant 0 : i32
        %dma_start3A_40 = tpu.memref_slice %arg7[%add3A_28, %dma_start3A_39] : memref<80x128xi32, #tpu.memory_space<vmem>> -> memref<1x128xi32, #tpu.memory_space<vmem>>
        %dma_start3A_41 = tpu.memref_squeeze %dma_start3A_40 : memref<1x128xi32, #tpu.memory_space<vmem>> -> memref<128xi32, #tpu.memory_space<vmem>>
        %dma_start3A_42 = arith.constant 0 : i32
        %dma_start3A_43 = arith.constant 0 : i32
        %dma_start3A_44 = tpu.memref_slice %arg9[%dma_start3A_42, %dma_start3A_43] : memref<10240x64xf32, #tpu.memory_space<vmem_shared>> -> memref<10240x64xf32, #tpu.memory_space<vmem_shared>>
        tpu.enqueue_indirect_dma source(%arg8 : memref<128x64xf32, #tpu.memory_space<vmem>>) target(%dma_start3A_44 : memref<10240x64xf32, #tpu.memory_space<vmem_shared>>) offsets(%dma_start3A_41 : memref<128xi32, #tpu.memory_space<vmem>>) semaphore(%run_scoped3A : memref<!tpu.dma_semaphore, #tpu.memory_space<semaphore_mem>>) {add = true}
        %dma_wait3A_45 = arith.constant 0 : i32
        %dma_wait3A_46 = tpu.memref_slice %arg7[%add3A_28, %dma_wait3A_45] : memref<80x128xi32, #tpu.memory_space<vmem>> -> memref<1x128xi32, #tpu.memory_space<vmem>>
        %dma_wait3A_47 = tpu.memref_squeeze %dma_wait3A_46 : memref<1x128xi32, #tpu.memory_space<vmem>> -> memref<128xi32, #tpu.memory_space<vmem>>
        %dma_wait3A_48 = arith.constant 0 : i32
        %dma_wait3A_49 = arith.constant 0 : i32
        %dma_wait3A_50 = tpu.memref_slice %arg9[%dma_wait3A_48, %dma_wait3A_49] : memref<10240x64xf32, #tpu.memory_space<vmem_shared>> -> memref<10240x64xf32, #tpu.memory_space<vmem_shared>>
        tpu.wait_indirect_dma semaphore(%run_scoped3A : memref<!tpu.dma_semaphore, #tpu.memory_space<semaphore_mem>>) src(%arg8 : memref<128x64xf32, #tpu.memory_space<vmem>>) dst(%dma_wait3A_50 : memref<10240x64xf32, #tpu.memory_space<vmem_shared>>)
        tpu.yield
      }) : () -> ()
    }
    %scan3A_15 = arith.constant 80 : i32
    %barrier3A_16 = arith.constant 0 : index
    tpu.barrier barrier_id(%barrier3A_16)
    %mul3A_17 = arith.constant 640 : i32
    %mul3A_18 = arith.muli %arg1, %mul3A_17 : i32
    %mul3A_19 = arith.constant 10240 : i32
    %mul3A_20 = arith.muli %arg0, %mul3A_19 : i32
    %mul3A_21 = arith.constant 640 : i32
    %mul3A_22 = arith.muli %arg1, %mul3A_21 : i32
    %add3A_23 = arith.addi %mul3A_20, %mul3A_22 : i32
    "tpu.region"() ({
      %run_scoped3A = tpu.sem_alloc : memref<!tpu.dma_semaphore, #tpu.memory_space<semaphore_mem>>
      %dma_start3A = arith.constant 0 : i32
      %dma_start3A_24 = tpu.memref_slice %arg5[%add3A_23, %dma_start3A] : memref<20480x64xf32, #tpu.memory_space<hbm>> -> memref<640x64xf32, #tpu.memory_space<hbm>>
      %dma_start3A_25 = arith.constant 0 : i32
      %dma_start3A_26 = tpu.memref_slice %arg9[%mul3A_18, %dma_start3A_25] : memref<10240x64xf32, #tpu.memory_space<vmem_shared>> -> memref<640x64xf32, #tpu.memory_space<vmem_shared>>
      tpu.enqueue_dma source(%dma_start3A_26 : memref<640x64xf32, #tpu.memory_space<vmem_shared>>) target(%dma_start3A_24 : memref<640x64xf32, #tpu.memory_space<hbm>>) target_semaphore(%run_scoped3A : memref<!tpu.dma_semaphore, #tpu.memory_space<semaphore_mem>>)
      %dma_wait3A = arith.constant 0 : i32
      %dma_wait3A_27 = tpu.memref_slice %arg5[%add3A_23, %dma_wait3A] : memref<20480x64xf32, #tpu.memory_space<hbm>> -> memref<640x64xf32, #tpu.memory_space<hbm>>
      %dma_wait3A_28 = arith.constant 0 : i32
      %dma_wait3A_29 = tpu.memref_slice %arg9[%mul3A_18, %dma_wait3A_28] : memref<10240x64xf32, #tpu.memory_space<vmem_shared>> -> memref<640x64xf32, #tpu.memory_space<vmem_shared>>
      tpu.wait_dma2 semaphore(%run_scoped3A : memref<!tpu.dma_semaphore, #tpu.memory_space<semaphore_mem>>) src(%dma_wait3A_29 : memref<640x64xf32, #tpu.memory_space<vmem_shared>>) dst(%dma_wait3A_27 : memref<640x64xf32, #tpu.memory_space<hbm>>)
      tpu.yield
    }) : () -> ()
    return
  }
}

module attributes {stable_mosaic.version = 14 : i64} {
  func.func @_dense1_body(%arg0: i32, %arg1: memref<32x256xf32, #tpu.memory_space<vmem>>, %arg2: memref<256x128xf32, #tpu.memory_space<vmem>>, %arg3: memref<128x64xf32, #tpu.memory_space<vmem>>, %arg4: memref<256x1xf32, #tpu.memory_space<vmem>>, %arg5: memref<256x64xf32, #tpu.memory_space<vmem>>, %arg6: memref<256x64xf32, #tpu.memory_space<vmem>>) attributes {dimension_semantics = [#tpu.dimension_semantics<arbitrary>], iteration_bounds = array<i64: 40>, scalar_prefetch = 0 : i64, scratch_operands = 0 : i64, tpu.core_type = #tpu.core_type<tc>, window_params = [{transform_indices = @transform_0, window_bounds = array<i64: 32, 256>}, {transform_indices = @transform_1, window_bounds = array<i64: 256, 128>}, {pipeline_mode = #tpu.pipeline_mode<synchronous>, transform_indices = @transform_2, window_bounds = array<i64: 128, 64>}, {transform_indices = @transform_3, window_bounds = array<i64: 256, 1>}, {transform_indices = @transform_4, window_bounds = array<i64: 256, 64>}, {transform_indices = @transform_5, window_bounds = array<i64: 256, 64>}]} {
    %get3A = arith.constant 0 : index
    %get3A_0 = arith.constant 0 : index
    %get3A_1 = vector.load %arg1[%get3A, %get3A_0] : memref<32x256xf32, #tpu.memory_space<vmem>>, vector<32x256xf32>
    %reduce_sum3A = arith.constant dense<0.000000e+00> : vector<256xf32>
    %reduce_sum3A_2 = vector.multi_reduction <add>, %get3A_1, %reduce_sum3A [0] : vector<32x256xf32> to vector<256xf32>
    %add3A = arith.constant 1.000000e+00 : f32
    %add3A_3 = vector.broadcast %add3A : f32 to vector<256xf32>
    %add3A_4 = arith.addf %reduce_sum3A_2, %add3A_3 : vector<256xf32>
    %max3A = arith.constant 9.99999996E-13 : f32
    %max3A_5 = vector.broadcast %max3A : f32 to vector<256xf32>
    %max3A_6 = arith.maximumf %add3A_4, %max3A_5 : vector<256xf32>
    %rsqrt3A = math.rsqrt %max3A_6 : vector<256xf32>
    %broadcast_in_dim3A = vector.shape_cast %rsqrt3A : vector<256xf32> to vector<256x1xf32>
    %swap3A = arith.constant 0 : index
    %swap3A_7 = arith.constant 0 : index
    %swap3A_8 = vector.load %arg4[%swap3A, %swap3A_7] : memref<256x1xf32, #tpu.memory_space<vmem>>, vector<256x1xf32>
    tpu.vector_store %arg4[%swap3A, %swap3A_7], %broadcast_in_dim3A {strides = array<i32>} : memref<256x1xf32, #tpu.memory_space<vmem>>, vector<256x1xf32>,
    %get3A_9 = arith.constant 0 : index
    %get3A_10 = arith.constant 0 : index
    %get3A_11 = vector.load %arg2[%get3A_9, %get3A_10] : memref<256x128xf32, #tpu.memory_space<vmem>>, vector<256x128xf32>
    %get3A_12 = arith.constant 0 : index
    %get3A_13 = arith.constant 0 : index
    %get3A_14 = vector.load %arg3[%get3A_12, %get3A_13] : memref<128x64xf32, #tpu.memory_space<vmem>>, vector<128x64xf32>
    %dot_general3A = arith.constant dense<0.000000e+00> : vector<256x64xf32>
    %dot_general3A_15 = tpu.matmul %get3A_11, %get3A_14, %dot_general3A {dimension_numbers = #tpu.dot_dimension_numbers<[1], [0], [0], [1], [0, 0, 1, 1], [], []>, transpose_lhs_hint = false} : vector<256x128xf32>, vector<128x64xf32>, vector<256x64xf32> -> vector<256x64xf32>
    %swap3A_16 = arith.constant 0 : index
    %swap3A_17 = arith.constant 0 : index
    %swap3A_18 = vector.load %arg5[%swap3A_16, %swap3A_17] : memref<256x64xf32, #tpu.memory_space<vmem>>, vector<256x64xf32>
    tpu.vector_store %arg5[%swap3A_16, %swap3A_17], %dot_general3A_15 {strides = array<i32>} : memref<256x64xf32, #tpu.memory_space<vmem>>, vector<256x64xf32>,
    %mul3A = vector.broadcast %broadcast_in_dim3A : vector<256x1xf32> to vector<256x64xf32>
    %mul3A_19 = arith.mulf %dot_general3A_15, %mul3A : vector<256x64xf32>
    %swap3A_20 = arith.constant 0 : index
    %swap3A_21 = arith.constant 0 : index
    %swap3A_22 = vector.load %arg6[%swap3A_20, %swap3A_21] : memref<256x64xf32, #tpu.memory_space<vmem>>, vector<256x64xf32>
    tpu.vector_store %arg6[%swap3A_20, %swap3A_21], %mul3A_19 {strides = array<i32>} : memref<256x64xf32, #tpu.memory_space<vmem>>, vector<256x64xf32>,
    return
  }
  func.func @transform_0(%arg0: i32) -> (i32, i32) {
    %c0_i32 = arith.constant 0 : i32
    %c0_i32_0 = arith.constant 0 : i32
    return %c0_i32, %arg0 : i32, i32
  }
  func.func @transform_1(%arg0: i32) -> (i32, i32) {
    %c0_i32 = arith.constant 0 : i32
    %c0_i32_0 = arith.constant 0 : i32
    return %arg0, %c0_i32 : i32, i32
  }
  func.func @transform_2(%arg0: i32) -> (i32, i32) {
    %c0_i32 = arith.constant 0 : i32
    %c0_i32_0 = arith.constant 0 : i32
    %c0_i32_1 = arith.constant 0 : i32
    return %c0_i32, %c0_i32_0 : i32, i32
  }
  func.func @transform_3(%arg0: i32) -> (i32, i32) {
    %c0_i32 = arith.constant 0 : i32
    %c0_i32_0 = arith.constant 0 : i32
    return %arg0, %c0_i32 : i32, i32
  }
  func.func @transform_4(%arg0: i32) -> (i32, i32) {
    %c0_i32 = arith.constant 0 : i32
    %c0_i32_0 = arith.constant 0 : i32
    return %arg0, %c0_i32 : i32, i32
  }
  func.func @transform_5(%arg0: i32) -> (i32, i32) {
    %c0_i32 = arith.constant 0 : i32
    %c0_i32_0 = arith.constant 0 : i32
    return %arg0, %c0_i32 : i32, i32
  }
}

module attributes {stable_mosaic.version = 14 : i64} {
  func.func @_dense2_body(%arg0: i32, %arg1: memref<2x256x64xf32, #tpu.memory_space<vmem>>, %arg2: memref<256x64xf32, #tpu.memory_space<vmem>>, %arg3: memref<256x1xf32, #tpu.memory_space<vmem>>, %arg4: memref<1x64xf32, #tpu.memory_space<vmem>>, %arg5: memref<64x64xf32, #tpu.memory_space<vmem>>, %arg6: memref<256x64xf32, #tpu.memory_space<vmem>>, %arg7: memref<256x64xf32, #tpu.memory_space<vmem>>) attributes {dimension_semantics = [#tpu.dimension_semantics<arbitrary>], iteration_bounds = array<i64: 40>, scalar_prefetch = 0 : i64, scratch_operands = 0 : i64, tpu.core_type = #tpu.core_type<tc>, window_params = [{transform_indices = @transform_0, window_bounds = array<i64: 2, 256, 64>}, {transform_indices = @transform_1, window_bounds = array<i64: 256, 64>}, {transform_indices = @transform_2, window_bounds = array<i64: 256, 1>}, {pipeline_mode = #tpu.pipeline_mode<synchronous>, transform_indices = @transform_3, window_bounds = array<i64: 1, 64>}, {pipeline_mode = #tpu.pipeline_mode<synchronous>, transform_indices = @transform_4, window_bounds = array<i64: 64, 64>}, {transform_indices = @transform_5, window_bounds = array<i64: 256, 64>}, {transform_indices = @transform_6, window_bounds = array<i64: 256, 64>}]} {
    %get3A = arith.constant 0 : index
    %get3A_0 = arith.constant 0 : index
    %get3A_1 = vector.load %arg3[%get3A, %get3A_0] : memref<256x1xf32, #tpu.memory_space<vmem>>, vector<256x1xf32>
    %get3A_2 = arith.constant 0 : index
    %get3A_3 = arith.constant 0 : index
    %get3A_4 = arith.constant 0 : index
    %get3A_5 = vector.load %arg1[%get3A_2, %get3A_3, %get3A_4] : memref<2x256x64xf32, #tpu.memory_space<vmem>>, vector<1x256x64xf32>
    %get3A_6 = vector.shape_cast %get3A_5 : vector<1x256x64xf32> to vector<256x64xf32>
    %get3A_7 = arith.constant 1 : index
    %get3A_8 = arith.constant 0 : index
    %get3A_9 = arith.constant 0 : index
    %get3A_10 = vector.load %arg1[%get3A_7, %get3A_8, %get3A_9] : memref<2x256x64xf32, #tpu.memory_space<vmem>>, vector<1x256x64xf32>
    %get3A_11 = vector.shape_cast %get3A_10 : vector<1x256x64xf32> to vector<256x64xf32>
    %add3A = arith.addf %get3A_6, %get3A_11 : vector<256x64xf32>
    %mul3A = vector.broadcast %get3A_1 : vector<256x1xf32> to vector<256x64xf32>
    %mul3A_12 = arith.mulf %mul3A, %add3A : vector<256x64xf32>
    %mul3A_13 = arith.mulf %get3A_1, %get3A_1 : vector<256x1xf32>
    %get3A_14 = arith.constant 0 : index
    %get3A_15 = arith.constant 0 : index
    %get3A_16 = vector.load %arg2[%get3A_14, %get3A_15] : memref<256x64xf32, #tpu.memory_space<vmem>>, vector<256x64xf32>
    %mul3A_17 = vector.broadcast %mul3A_13 : vector<256x1xf32> to vector<256x64xf32>
    %mul3A_18 = arith.mulf %mul3A_17, %get3A_16 : vector<256x64xf32>
    %add3A_19 = arith.addf %mul3A_12, %mul3A_18 : vector<256x64xf32>
    %get3A_20 = arith.constant 0 : index
    %get3A_21 = arith.constant 0 : index
    %get3A_22 = vector.load %arg4[%get3A_20, %get3A_21] : memref<1x64xf32, #tpu.memory_space<vmem>>, vector<1x64xf32>
    %add3A_23 = vector.broadcast %get3A_22 : vector<1x64xf32> to vector<256x64xf32>
    %add3A_24 = arith.addf %add3A_19, %add3A_23 : vector<256x64xf32>
    %max3A = arith.constant 0.000000e+00 : f32
    %max3A_25 = vector.broadcast %max3A : f32 to vector<256x64xf32>
    %max3A_26 = arith.maximumf %add3A_24, %max3A_25 : vector<256x64xf32>
    %get3A_27 = arith.constant 0 : index
    %get3A_28 = arith.constant 0 : index
    %get3A_29 = vector.load %arg5[%get3A_27, %get3A_28] : memref<64x64xf32, #tpu.memory_space<vmem>>, vector<64x64xf32>
    %dot_general3A = arith.constant dense<0.000000e+00> : vector<256x64xf32>
    %dot_general3A_30 = tpu.matmul %max3A_26, %get3A_29, %dot_general3A {dimension_numbers = #tpu.dot_dimension_numbers<[1], [0], [0], [1], [0, 0, 1, 1], [], []>, transpose_lhs_hint = false} : vector<256x64xf32>, vector<64x64xf32>, vector<256x64xf32> -> vector<256x64xf32>
    %swap3A = arith.constant 0 : index
    %swap3A_31 = arith.constant 0 : index
    %swap3A_32 = vector.load %arg6[%swap3A, %swap3A_31] : memref<256x64xf32, #tpu.memory_space<vmem>>, vector<256x64xf32>
    tpu.vector_store %arg6[%swap3A, %swap3A_31], %dot_general3A_30 {strides = array<i32>} : memref<256x64xf32, #tpu.memory_space<vmem>>, vector<256x64xf32>,
    %mul3A_33 = vector.broadcast %get3A_1 : vector<256x1xf32> to vector<256x64xf32>
    %mul3A_34 = arith.mulf %dot_general3A_30, %mul3A_33 : vector<256x64xf32>
    %swap3A_35 = arith.constant 0 : index
    %swap3A_36 = arith.constant 0 : index
    %swap3A_37 = vector.load %arg7[%swap3A_35, %swap3A_36] : memref<256x64xf32, #tpu.memory_space<vmem>>, vector<256x64xf32>
    tpu.vector_store %arg7[%swap3A_35, %swap3A_36], %mul3A_34 {strides = array<i32>} : memref<256x64xf32, #tpu.memory_space<vmem>>, vector<256x64xf32>,
    return
  }
  func.func @transform_0(%arg0: i32) -> (i32, i32, i32) {
    %c0_i32 = arith.constant 0 : i32
    %c0_i32_0 = arith.constant 0 : i32
    %c0_i32_1 = arith.constant 0 : i32
    return %c0_i32, %arg0, %c0_i32_0 : i32, i32, i32
  }
  func.func @transform_1(%arg0: i32) -> (i32, i32) {
    %c0_i32 = arith.constant 0 : i32
    %c0_i32_0 = arith.constant 0 : i32
    return %arg0, %c0_i32 : i32, i32
  }
  func.func @transform_2(%arg0: i32) -> (i32, i32) {
    %c0_i32 = arith.constant 0 : i32
    %c0_i32_0 = arith.constant 0 : i32
    return %arg0, %c0_i32 : i32, i32
  }
  func.func @transform_3(%arg0: i32) -> (i32, i32) {
    %c0_i32 = arith.constant 0 : i32
    %c0_i32_0 = arith.constant 0 : i32
    %c0_i32_1 = arith.constant 0 : i32
    return %c0_i32, %c0_i32_0 : i32, i32
  }
  func.func @transform_4(%arg0: i32) -> (i32, i32) {
    %c0_i32 = arith.constant 0 : i32
    %c0_i32_0 = arith.constant 0 : i32
    %c0_i32_1 = arith.constant 0 : i32
    return %c0_i32, %c0_i32_0 : i32, i32
  }
  func.func @transform_5(%arg0: i32) -> (i32, i32) {
    %c0_i32 = arith.constant 0 : i32
    %c0_i32_0 = arith.constant 0 : i32
    return %arg0, %c0_i32 : i32, i32
  }
  func.func @transform_6(%arg0: i32) -> (i32, i32) {
    %c0_i32 = arith.constant 0 : i32
    %c0_i32_0 = arith.constant 0 : i32
    return %arg0, %c0_i32 : i32, i32
  }
}

module attributes {stable_mosaic.version = 14 : i64} {
  func.func @_dense3_body(%arg0: i32, %arg1: memref<2x256x64xf32, #tpu.memory_space<vmem>>, %arg2: memref<256x64xf32, #tpu.memory_space<vmem>>, %arg3: memref<256x1xf32, #tpu.memory_space<vmem>>, %arg4: memref<1x64xf32, #tpu.memory_space<vmem>>, %arg5: memref<256x64xf32, #tpu.memory_space<vmem>>) attributes {dimension_semantics = [#tpu.dimension_semantics<arbitrary>], iteration_bounds = array<i64: 40>, scalar_prefetch = 0 : i64, scratch_operands = 0 : i64, tpu.core_type = #tpu.core_type<tc>, window_params = [{transform_indices = @transform_0, window_bounds = array<i64: 2, 256, 64>}, {transform_indices = @transform_1, window_bounds = array<i64: 256, 64>}, {transform_indices = @transform_2, window_bounds = array<i64: 256, 1>}, {pipeline_mode = #tpu.pipeline_mode<synchronous>, transform_indices = @transform_3, window_bounds = array<i64: 1, 64>}, {transform_indices = @transform_4, window_bounds = array<i64: 256, 64>}]} {
    %get3A = arith.constant 0 : index
    %get3A_0 = arith.constant 0 : index
    %get3A_1 = vector.load %arg3[%get3A, %get3A_0] : memref<256x1xf32, #tpu.memory_space<vmem>>, vector<256x1xf32>
    %get3A_2 = arith.constant 0 : index
    %get3A_3 = arith.constant 0 : index
    %get3A_4 = arith.constant 0 : index
    %get3A_5 = vector.load %arg1[%get3A_2, %get3A_3, %get3A_4] : memref<2x256x64xf32, #tpu.memory_space<vmem>>, vector<1x256x64xf32>
    %get3A_6 = vector.shape_cast %get3A_5 : vector<1x256x64xf32> to vector<256x64xf32>
    %get3A_7 = arith.constant 1 : index
    %get3A_8 = arith.constant 0 : index
    %get3A_9 = arith.constant 0 : index
    %get3A_10 = vector.load %arg1[%get3A_7, %get3A_8, %get3A_9] : memref<2x256x64xf32, #tpu.memory_space<vmem>>, vector<1x256x64xf32>
    %get3A_11 = vector.shape_cast %get3A_10 : vector<1x256x64xf32> to vector<256x64xf32>
    %add3A = arith.addf %get3A_6, %get3A_11 : vector<256x64xf32>
    %mul3A = vector.broadcast %get3A_1 : vector<256x1xf32> to vector<256x64xf32>
    %mul3A_12 = arith.mulf %mul3A, %add3A : vector<256x64xf32>
    %mul3A_13 = arith.mulf %get3A_1, %get3A_1 : vector<256x1xf32>
    %get3A_14 = arith.constant 0 : index
    %get3A_15 = arith.constant 0 : index
    %get3A_16 = vector.load %arg2[%get3A_14, %get3A_15] : memref<256x64xf32, #tpu.memory_space<vmem>>, vector<256x64xf32>
    %mul3A_17 = vector.broadcast %mul3A_13 : vector<256x1xf32> to vector<256x64xf32>
    %mul3A_18 = arith.mulf %mul3A_17, %get3A_16 : vector<256x64xf32>
    %add3A_19 = arith.addf %mul3A_12, %mul3A_18 : vector<256x64xf32>
    %get3A_20 = arith.constant 0 : index
    %get3A_21 = arith.constant 0 : index
    %get3A_22 = vector.load %arg4[%get3A_20, %get3A_21] : memref<1x64xf32, #tpu.memory_space<vmem>>, vector<1x64xf32>
    %add3A_23 = vector.broadcast %get3A_22 : vector<1x64xf32> to vector<256x64xf32>
    %add3A_24 = arith.addf %add3A_19, %add3A_23 : vector<256x64xf32>
    %swap3A = arith.constant 0 : index
    %swap3A_25 = arith.constant 0 : index
    %swap3A_26 = vector.load %arg5[%swap3A, %swap3A_25] : memref<256x64xf32, #tpu.memory_space<vmem>>, vector<256x64xf32>
    tpu.vector_store %arg5[%swap3A, %swap3A_25], %add3A_24 {strides = array<i32>} : memref<256x64xf32, #tpu.memory_space<vmem>>, vector<256x64xf32>,
    return
  }
  func.func @transform_0(%arg0: i32) -> (i32, i32, i32) {
    %c0_i32 = arith.constant 0 : i32
    %c0_i32_0 = arith.constant 0 : i32
    %c0_i32_1 = arith.constant 0 : i32
    return %c0_i32, %arg0, %c0_i32_0 : i32, i32, i32
  }
  func.func @transform_1(%arg0: i32) -> (i32, i32) {
    %c0_i32 = arith.constant 0 : i32
    %c0_i32_0 = arith.constant 0 : i32
    return %arg0, %c0_i32 : i32, i32
  }
  func.func @transform_2(%arg0: i32) -> (i32, i32) {
    %c0_i32 = arith.constant 0 : i32
    %c0_i32_0 = arith.constant 0 : i32
    return %arg0, %c0_i32 : i32, i32
  }
  func.func @transform_3(%arg0: i32) -> (i32, i32) {
    %c0_i32 = arith.constant 0 : i32
    %c0_i32_0 = arith.constant 0 : i32
    %c0_i32_1 = arith.constant 0 : i32
    return %c0_i32, %c0_i32_0 : i32, i32
  }
  func.func @transform_4(%arg0: i32) -> (i32, i32) {
    %c0_i32 = arith.constant 0 : i32
    %c0_i32_0 = arith.constant 0 : i32
    return %arg0, %c0_i32 : i32, i32
  }
}

</mosaic_0001>

<sc_bundles>
// kernel: kernel.11.cloned.1.call-start
scs
__scs_entry_jumppad:
0x0: {  	(pc) =	sbr.rel $0x88, $3  }
0x1: {  	(tag) =	ssettag $0x0;
	lr =	simm.s32 $0x1  }
0x2: {  	[smem:$0x3F9B] =	sst lr;
	_ =	strace $0xD0000000  }
0x3: {  	_ = 	snop  }
0x4: {  	_ = 	snop  }
0x5: {  	_ = 	snop  }
0x6: {  	_ = 	snop  }
0x7: {  	_ = 	snop  }
__scs_overlays_trampoline_lowered:
0x8: {  	[smem:$0x3FAA] =	sst s0  }
0x9: {  	[smem:$0x3FAB] =	sst s1  }
0xa: {  	[smem:$0x3FAC] =	sst s2  }
0xb: {  	[smem:$0x3FAD] =	sst s3  }
0xc: {  	[smem:$0x3FAE] =	sst s4  }
0xd: {  	[smem:$0x3FAF] =	sst s5  }
0xe: {  	[smem:$0x3FB0] =	sst s6  }
0xf: {  	[smem:$0x3FB1] =	sst s7  }
0x10: {  	[smem:$0x3FB2] =	sst s8  }
0x11: {  	[smem:$0x3FB3] =	sst s9;
	s0 =	simm.s32 @!p0 $0x0  }
0x12: {  	s1 =	sld [smem:$0x3F99];
	s0 =	simm.s32 @p0 $0x1  }
0x13: {  	[smem:$0x3FB4] =	sst s0;
	s0 =	simm.s32 @!p1 $0x0  }
0x14: {  	s2 =	sld [smem:$0x3F98];
	s0 =	simm.s32 @p1 $0x1  }
0x15: {  	[smem:$0x3FB5] =	sst s0;
	s0 =	simm.s32 @!p2 $0x0  }
0x16: {  	s3 =	sld [smem:$0x3FDB];
	s0 =	simm.s32 @p2 $0x1  }
0x17: {  	s4 =	simm.s32 $0x1BF5;
	[smem:$0x3FB7] =	sst s0  }
0x18: {  	s0 =	sld [smem:$0x3F9A];
	_ =	swait.ge [sflag:s4], $0x0  }
0x19: {  	s7 =	sld [smem:$0x3F9B]  }
0x1a: {  	s8 =	sadd.s32 $0xFFFFE003, lr  }
0x1b: {  	s9 =	sadd.s32 $0xFFFFFEF7, lr;
	s5 =	simm.s32 $0xFFFFFFFF;
	p2 =	slt.u32 s8, $0xFFFFF086  }
0x1c: {  	p1 =	slt.u32 s9, $0xF7A;
	s5 =	simm.s32 @!p2 $0x0  }
0x1d: {  	s5 =	simm.s32 @p1 $0x1;
	p0 =	seq.s32 s7, s2  }
0x1e: {  	s7 =	smul.u32 @!p0 $0xF7A, s2;
	p2 =	seq.s32 @!p0 s5, $0x0  }
0x1f: {  	s9 =	smul.u32 $0xF7A, s1;
	s8 =	simm.s32 @!p0 $0x1BF5;
	p2 =	por !p2, p0  }
0x20: {  	[sflag:s8] =	ssyncset.s32 @!p0 $0xFFFFF086;
	s6 =	sadd.s32 @!p0 s3, s7;
	s7 =	simm.s32 @!p0 $0x108  }
0x21: {  	s3 =	sadd.s32 s3, s9;
	s6 =	sadd.s32 @!p0 $0x88, s6;
	s7 =	simm.s32 @p2 $0x1082  }
0x22: {  	[simem:s7], [sflag:s8] =	dma.local @!p0 [hbm:s6], $0xF7A  }
0x23: {  	s9 =	sor.u32 $0xD0000000, s2;
	s6 =	simm.s32 $0x108;
	_ =	swait.ge @!p0 [sflag:s8], $0x0  }
0x24: {  	s3 =	sadd.s32 $0x88, s3;
	s6 =	simm.s32 @!p1 $0x1082;
	[sflag:s4] =	ssyncset.s32 $0xFFFFF086  }
0x25: {  	[simem:s6], [sflag:s4] =	dma.local [hbm:s3], $0xF7A  }
0x26: {  	[smem:$0x3F9B] =	sst s1;
	(tag) =	ssettag s2;
	_ =	strace s9  }
0x27: {  	s1 =	sld [smem:$0x3FAB]  }
0x28: {  	s2 =	sld [smem:$0x3FAC]  }
0x29: {  	s4 =	sld [smem:$0x3FAE]  }
0x2a: {  	p0 =	seq.s32 s5, $0x0;
	s5 =	sld [smem:$0x3FAF]  }
0x2b: {  	s6 =	sld [smem:$0x3FB0]  }
0x2c: {  	s7 =	sld [smem:$0x3FB1]  }
0x2d: {  	s3 =	simm.s32 $0x108;
	s8 =	sld [smem:$0x3FB2]  }
0x2e: {  	s3 =	simm.s32 @!p0 $0x1082;
	s9 =	sld [smem:$0x3FB3]  }
0x2f: {  	lr =	sadd.s32 s0, s3;
	s0 =	sld [smem:$0x3FAA]  }
0x30: {  	s3 =	sld [smem:$0x3FAD]  }
0x31: {  	[smem:$0x3FB6] =	sst s10  }
0x32: {  	s10 =	sld [smem:$0x3FB4];
	_ =	sdelay $0x3  }
0x33: {  	p0 =	seq.s32 s10, $0x1;
	s10 =	sld [smem:$0x3FB6];
	_ =	sdelay $0x3  }
0x34: {  	[smem:$0x3FB6] =	sst s10  }
0x35: {  	s10 =	sld [smem:$0x3FB5];
	_ =	sdelay $0x3  }
0x36: {  	p1 =	seq.s32 s10, $0x1;
	s10 =	sld [smem:$0x3FB6];
	_ =	sdelay $0x3  }
0x37: {  	[smem:$0x3FB6] =	sst s10  }
0x38: {  	s10 =	sld [smem:$0x3FB7]  }
0x39: {  	_ = 	snop;
	(pc) =	sbr.ind lr, $3  }
0x3a: {  	_ = 	snop  }
0x3b: {  	_ = 	snop  }
0x3c: {  	p2 =	seq.s32 s10, $0x1;
	s10 =	sld [smem:$0x3FB6]  }
0x3d: {  	_ =	shalt  }
0x3e: {  	_ =	shalt  }
0x3f: {  	_ =	shalt  }
0x40: {  	_ =	shalt  }
0x41: {  	_ =	shalt  }
0x42: {  	_ =	shalt  }
0x43: {  	_ =	shalt  }
0x44: {  	_ =	shalt  }
0x45: {  	_ =	shalt  }
0x46: {  	_ =	shalt  }
0x47: {  	_ =	shalt  }
0x48: {  	_ =	shalt  }
0x49: {  	_ =	shalt  }
0x4a: {  	_ =	shalt  }
0x4b: {  	_ =	shalt  }
0x4c: {  	_ =	shalt  }
0x4d: {  	_ =	shalt  }
0x4e: {  	_ =	shalt  }
0x4f: {  	_ =	shalt  }
0x50: {  	_ =	shalt  }
0x51: {  	_ =	shalt  }
0x52: {  	_ =	shalt  }
0x53: {  	_ =	shalt  }
0x54: {  	_ =	shalt  }
0x55: {  	_ =	shalt  }
0x56: {  	_ =	shalt  }
0x57: {  	_ =	shalt  }
0x58: {  	_ =	shalt  }
0x59: {  	_ =	shalt  }
0x5a: {  	_ =	shalt  }
0x5b: {  	_ =	shalt  }
0x5c: {  	_ =	shalt  }
0x5d: {  	_ =	shalt  }
0x5e: {  	_ =	shalt  }
0x5f: {  	_ =	shalt  }
0x60: {  	_ =	shalt  }
0x61: {  	_ =	shalt  }
0x62: {  	_ =	shalt  }
0x63: {  	_ =	shalt  }
0x64: {  	_ =	shalt  }
0x65: {  	_ =	shalt  }
0x66: {  	_ =	shalt  }
0x67: {  	_ =	shalt  }
0x68: {  	_ =	shalt  }
0x69: {  	_ =	shalt  }
0x6a: {  	_ =	shalt  }
0x6b: {  	_ =	shalt  }
0x6c: {  	_ =	shalt  }
0x6d: {  	_ =	shalt  }
0x6e: {  	_ =	shalt  }
0x6f: {  	_ =	shalt  }
0x70: {  	_ =	shalt  }
0x71: {  	_ =	shalt  }
0x72: {  	_ =	shalt  }
0x73: {  	_ =	shalt  }
0x74: {  	_ =	shalt  }
0x75: {  	_ =	shalt  }
0x76: {  	_ =	shalt  }
0x77: {  	_ =	shalt  }
0x78: {  	_ =	shalt  }
0x79: {  	_ =	shalt  }
0x7a: {  	_ =	shalt  }
0x7b: {  	_ =	shalt  }
0x7c: {  	_ =	shalt  }
0x7d: {  	_ =	shalt  }
0x7e: {  	_ =	shalt  }
0x7f: {  	_ =	shalt  }
0x80: {  	_ =	shalt  }
0x81: {  	_ =	shalt  }
0x82: {  	_ =	shalt  }
0x83: {  	_ =	shalt  }
0x84: {  	_ =	shalt  }
0x85: {  	_ =	shalt  }
0x86: {  	_ =	shalt  }
0x87: {  	_ =	shalt  }
.Lfunc_end0:
.L_simem_size_0:
called_computation.1_lowered:
.L_overlay_start_0:
0x88: {  	s2 =	sld [smem:$0x3FD9]  }
0x89: {  	s3 =	sld [smem:$0x3FFE];
	_ =	sdelay $0x1  }
0x8a: {  	s1 =	srdreg.scid  }
0x8b: {  	s0 =	sand.u32 $0x1, s1  }
0x8c: {  	s17 =	sshll.u32 s0, $0xA;
	s2 =	sadd.s32 s3, s2  }
0x8d: {  	s2 =	sadd.s32 s2, s17  }
0x8e: {  	[smem:$0x3FC2] =	sst s2  }
0x8f: {  	_ = 	snop  }
0x90: {  	s2 =	sld [smem:$0x3FD0];
	(tm) =	ssettm $0x1  }
0x91: {  	s18 =	sld [smem:$0x3FFB];
	_ =	sdelay $0x3  }
0x92: {  	_ =	strace s18  }
0x93: {  	s3 =	sld [smem:$0x3FFC];
	_ =	sdelay $0x3  }
0x94: {  	_ =	strace s3  }
0x95: {  	s3 =	sld [smem:$0x3FFD];
	_ =	sdelay $0x3  }
0x96: {  	_ =	strace s3  }
0x97: {  	_ =	strace $0x8FFFFFFF  }
0x98: {  	s19 =	sld [smem:$0x3FDB];
	_ =	sdelay $0x1  }
0x99: {  	s4 =	simm.s32 $_scs_section_size  }
0x9a: {  	s5 =	simm.s32 $_size__tile_overlayer_lowered;
	s6 =	simm.s32 $_tile_overlayer_lowered  }
0x9b: {  	s22 =	simm.s32 $0x1BFF;
	s21 =	sshll.u32 s6, $0x1;
	s3 =	sadd.s32 s4, s19  }
0x9c: {  	s7 =	simm.s32 $0x0;
	s20 =	sshll.u32 s5, $0x1;
	s5 =	sadd.s32 s21, s3  }
0x9d: {  	[timem:s7], [sflag:s22] =	dma.local [hbm:s5], s20  }
0x9e: {  	_ =	swait.ge [sflag:s22], s20  }
0x9f: {  	s4 =	ssub.s32 $0x0, s20;
	[sflag:s22] =	ssyncset.done $0x0  }
0xa0: {  	[sflag:s22] =	ssyncadd.s32 s4;
	_ =	sdelay $0x1  }
0xa1: {  	s23 =	simm.s32 $0x1B8B  }
0xa2: {  	_ =	swait.ge [sflag:s23], $0x1  }
0xa3: {  	[sflag:s23] =	ssyncset.done $0x0  }
0xa4: {  	s25 =	simm.s32 $0x1B8E;
	s24 =	sld [smem:$0x3FFE];
	[sflag:s23] =	ssyncadd.s32 $0xFFFFFFFF  }
0xa5: {  	s26 =	simm.s32 $execute0_lowered;
	[smem:$0x3FD2] =	sst s25  }
0xa6: {  	s5 =	sshll.u32 s26, $0x1;
	_ =	strace $0x80000049;
	[dreg:$0x1] =	wrdreg $0xFFFFFFFF  }
0xa7: {  	s28 =	simm.s32 $_size_execute0_lowered;
	s3 =	sadd.s32 s3, s5;
	[dreg:$0x0] =	wrdreg $0x0  }
0xa8: {  	s5 =	sshll.u32 s28, $0x1;
	[dreg:$0x2] =	wrdreg s3  }
0xa9: {  	[dreg:$0x3] =	wrdreg s5  }
0xaa: {  	[dreg:$0x4] =	wrdreg $0xC0  }
0xab: {  	_ =	task [dreg:s7], $0x5FFFF  }
0xac: {  	[dreg:$0x1] =	wrdreg $0xFFFFFFFF  }
0xad: {  	[dreg:$0x0] =	wrdreg $0x60  }
0xae: {  	[dreg:$0x2] =	wrdreg s24  }
0xaf: {  	[dreg:$0x3] =	wrdreg s2  }
0xb0: {  	[dreg:$0x4] =	wrdreg $0x70000  }
0xb1: {  	[dreg:$0x5] =	wrdreg $0x9  }
0xb2: {  	_ =	task.clear_ibuf [dreg:s7], $0x6FFFF;
	_ =	strace $0x90000049  }
0xb3: {  	s29 =	simm.s32 $0x9;
	_ =	strace $0x8000004B  }
0xb4: {  	_ =	swait.ge [sflag:s29], $0x1  }
0xb5: {  	[sflag:s29] =	ssyncadd.s32 $0xFFFFFFFF  }
0xb6: {  	_ =	strace $0x9000004B  }
0xb7: {  	_ =	sfence  }
0xb8: {  	s30 =	sld [smem:$0x0];
	_ =	sdelay $0x2  }
0xb9: {  	s31 =	sshll.u32 s1, $0xD;
	s1 =	sshrl.u32 s1, $0x2  }
0xba: {  	s3 =	sand.u32 $0x4000, s31;
	s1 =	sadd.s32 s1, s30  }
0xbb: {  	s0 =	sor.u32 s3, s0;
	s1 =	sshll.u32 s1, $0x11  }
0xbc: {  	s0 =	sor.u32 s1, s0  }
0xbd: {  	s0 =	sadd.s32 $0x8F2B, s0  }
0xbe: {  	[sflag:s0] =	ssyncadd.remote.s32 $0x1  }
0xbf: {  	_ =	sfence.sel $0xFFFF  }
0xc0: {  	[dreg:$0x0] =	wrdreg $0xFFFFFFFF;
	(pc) =	sbr.abs _section_cstart, $3  }
0xc1: {  	[dreg:$0x1] =	wrdreg $0xFFFFFFFF  }
0xc2: {  	_ =	task.clear_ibuf [dreg:s7], $0x2FFFF;
	_ =	strace $0x9FFFFFFF  }
0xc3: {  	(tm) =	ssettm $0x7FFFFFFF  }
tec
execute0_lowered:
.L_overlay_start_1:
0x0: {  	(tag) =	ssettag $0x1  }
0x1: {  	s5 =	rddreg [dreg:$0x0]  }
0x2: {  	s1 =	srdreg.scid;
	s7 =	rddreg [dreg:$0x1]  }
0x3: {  	s0 =	stileid.u32;
	s2 =	rddreg [dreg:$0x2]  }
0x4: {  	s3 =	simm.s32 $0x0;
	s19 =	simm.s32 $0x11000;
	s20 =	simm.s32 $0x2  }
0x5: {  	s21 =	simm.s32 $0x2800;
	s22 =	simm.s32 $0x80;
	s23 =	simm.s32 $0x5000  }
0x6: {  	s24 =	simm.s32 $0x1;
	s6 =	sand.u32 $0x1, s1;
	s10 =	smul.u32 $0x1400, s0  }
0x7: {  	s28 =	sshll.u32 s0, $0x1;
	[smem:$0x7FF] =	sst s3;
	s11 =	smul.u32 $0x28000, s0  }
0x8: {  	s4 =	sadd.s32 $0x15A00, s5;
	s1 =	sor.u32 s6, s28;
	s9 =	smul.u32 $0x14000, s6  }
0x9: {  	s6 =	ssub.s32 $0x2, s6;
	s8 =	smul.u32 $0x500, s1;
	s1 =	rddreg [dreg:$0x3]  }
0xa: {  	_ =	strace $0x8000004A;
	s29 =	sshrl.u32 s6, $0x1;
	s30 =	sshrl.u32 s11, $0x2  }
0xb: {  	s9 =	sadd.s32 s10, s9;
	s31 =	ssub.s32 s6, s29;
	s12 =	sadd.s32 s8, s5  }
0xc: {  	s9 =	sadd.s32 s9, s5;
	s5 =	sadd.s32 s30, s2;
	s7 =	sadd.s32 s7, s8  }
0xd: {  	s6 =	sadd.s32 $0xBA00, s12;
	s8 =	sadd.s32 $0x29A00, s9;
	s9 =	smax.u32 s31, $0x1  }
0xe: {  	s10 =	sadd.s32 $0x1000, s5;
	s11 =	sadd.s32 $0x2000, s5;
	s12 =	sadd.s32 $0x3000, s5  }
0xf: {  	s13 =	sadd.s32 $0x4000, s5;
	s14 =	sadd.s32 $0x5000, s5;
	s15 =	sadd.s32 $0x6000, s5  }
0x10: {  	v0 =	vimm.f32 $0.0e+00;
	s16 =	sadd.s32 $0x7000, s5;
	s17 =	sadd.s32 $0x8000, s5;
	s18 =	sadd.s32 $0x9000, s5  }
.LBB2_1:
0x11: {  	s26 =	simm.s32 $0x100;
	s25 =	simm.s32 $0x0  }
.LBB2_2:
0x12: {  	p0 =	sne.s32 s26, $0x3F00;
	[tilespmem:s25+$0x11030] =	vst v0;
	s28 =	smov.u32 s26;
	s26 =	sadd.s32 $0x100, s26  }
.Ltmp0:
0x13: {  	[tilespmem:s25+$0x11020] =	vst v0;
	(pc) =	sbr.rel @p0 .LBB2_2-.Ltmp0, $3  }
0x14: {  	[tilespmem:s25+$0x11000] =	vst v0  }
0x15: {  	[tilespmem:s25+$0x11010] =	vst v0;
	_ =	sdelay $0x1  }
0x16: {  	s25 =	sshra.s32 s28, $0x2  }
0x17: {  	[tilespmem:s25+$0x11030] =	vst v0  }
0x18: {  	[tilespmem:s25+$0x11020] =	vst v0  }
0x19: {  	[tilespmem:s25+$0x11000] =	vst v0  }
0x1a: {  	[tilespmem:s25+$0x11010] =	vst v0  }
0x1b: {  	[spmem:s5] =	stream.linear.scatter [tilespmem:s19], [sflag:$0x2], $0x1000, $0x38;
	[tilespmem:$0x12000] =	vst v63  }
0x1c: {  	_ =	swait.ge [sflag:s20], $0x1000  }
0x1d: {  	[sflag:s20] =	ssyncset.done $0x0  }
0x1e: {  	[sflag:s20] =	ssyncadd.s32 $0xFFFFF000  }
0x1f: {  	[spmem:s10] =	stream.linear.scatter [tilespmem:s19], [sflag:$0x2], $0x1000, $0x38;
	[tilespmem:$0x12000] =	vst v63  }
0x20: {  	_ =	swait.ge [sflag:s20], $0x1000  }
0x21: {  	[sflag:s20] =	ssyncset.done $0x0  }
0x22: {  	[sflag:s20] =	ssyncadd.s32 $0xFFFFF000  }
0x23: {  	[spmem:s11] =	stream.linear.scatter [tilespmem:s19], [sflag:$0x2], $0x1000, $0x38;
	[tilespmem:$0x12000] =	vst v63  }
0x24: {  	_ =	swait.ge [sflag:s20], $0x1000  }
0x25: {  	[sflag:s20] =	ssyncset.done $0x0  }
0x26: {  	[sflag:s20] =	ssyncadd.s32 $0xFFFFF000  }
0x27: {  	[spmem:s12] =	stream.linear.scatter [tilespmem:s19], [sflag:$0x2], $0x1000, $0x38;
	[tilespmem:$0x12000] =	vst v63  }
0x28: {  	_ =	swait.ge [sflag:s20], $0x1000  }
0x29: {  	[sflag:s20] =	ssyncset.done $0x0  }
0x2a: {  	[sflag:s20] =	ssyncadd.s32 $0xFFFFF000  }
0x2b: {  	[spmem:s13] =	stream.linear.scatter [tilespmem:s19], [sflag:$0x2], $0x1000, $0x38;
	[tilespmem:$0x12000] =	vst v63  }
0x2c: {  	_ =	swait.ge [sflag:s20], $0x1000  }
0x2d: {  	[sflag:s20] =	ssyncset.done $0x0  }
0x2e: {  	[sflag:s20] =	ssyncadd.s32 $0xFFFFF000  }
0x2f: {  	[spmem:s14] =	stream.linear.scatter [tilespmem:s19], [sflag:$0x2], $0x1000, $0x38;
	[tilespmem:$0x12000] =	vst v63  }
0x30: {  	_ =	swait.ge [sflag:s20], $0x1000  }
0x31: {  	[sflag:s20] =	ssyncset.done $0x0  }
0x32: {  	[sflag:s20] =	ssyncadd.s32 $0xFFFFF000  }
0x33: {  	[spmem:s15] =	stream.linear.scatter [tilespmem:s19], [sflag:$0x2], $0x1000, $0x38;
	[tilespmem:$0x12000] =	vst v63  }
0x34: {  	_ =	swait.ge [sflag:s20], $0x1000  }
0x35: {  	[sflag:s20] =	ssyncset.done $0x0  }
0x36: {  	[sflag:s20] =	ssyncadd.s32 $0xFFFFF000  }
0x37: {  	[spmem:s16] =	stream.linear.scatter [tilespmem:s19], [sflag:$0x2], $0x1000, $0x38;
	[tilespmem:$0x12000] =	vst v63  }
0x38: {  	_ =	swait.ge [sflag:s20], $0x1000  }
0x39: {  	[sflag:s20] =	ssyncset.done $0x0  }
0x3a: {  	[sflag:s20] =	ssyncadd.s32 $0xFFFFF000  }
0x3b: {  	[spmem:s17] =	stream.linear.scatter [tilespmem:s19], [sflag:$0x2], $0x1000, $0x38;
	[tilespmem:$0x12000] =	vst v63  }
0x3c: {  	_ =	swait.ge [sflag:s20], $0x1000  }
0x3d: {  	[sflag:s20] =	ssyncset.done $0x0  }
0x3e: {  	[sflag:s20] =	ssyncadd.s32 $0xFFFFF000  }
0x3f: {  	[spmem:s18] =	stream.linear.scatter [tilespmem:s19], [sflag:$0x2], $0x1000, $0x38;
	[tilespmem:$0x12000] =	vst v63  }
0x40: {  	_ =	swait.ge [sflag:s20], $0x1000  }
0x41: {  	[sflag:s20] =	ssyncset.done $0x0  }
0x42: {  	s29 =	simm.s32 $0x0;
	[sflag:s20] =	ssyncadd.s32 $0xFFFFF000  }
0x43: {  	[tilespmem:s29], [sflag:$0x2] =	stream.linear.gather [hbm4b:s6+s29], $0x2800, $0x38;
	[tilespmem:$0x12000] =	vst v63  }
0x44: {  	_ =	swait.ge [sflag:s20], $0x2800  }
0x45: {  	[sflag:s20] =	ssyncset.done $0x0  }
0x46: {  	[sflag:s20] =	ssyncadd.s32 $0xFFFFD800  }
0x47: {  	[tilespmem:s21], [sflag:$0x2] =	stream.linear.gather [hbm4b:s7+s29], $0x2800, $0x38;
	[tilespmem:$0x12000] =	vst v63  }
0x48: {  	_ =	swait.ge [sflag:s20], $0x2800  }
0x49: {  	[sflag:s20] =	ssyncset.done $0x0  }
0x4a: {  	[sflag:s20] =	ssyncadd.s32 $0xFFFFD800  }
0x4b: {  	s30 =	simm.s32 $0x0;
	[bflag:$0x0] =	sbarrier.arrive $0xFFFF  }
0x4c: {  	[tilespmem:s23], [sflag:$0x1] =	stream.indirect.gather [hbm4b:s4+s22], $0x40, s30, s22, $0xb8;
	[tilespmem:$0x12000] =	vst v63  }
0x4d: {  	_ =	swait.ge [sflag:s24], $0x2000  }
0x4e: {  	[sflag:s24] =	ssyncset.done $0x0  }
0x4f: {  	s31 =	simm.s32 $0x2800;
	[sflag:s24] =	ssyncadd.s32 $0xFFFFE000  }
0x50: {  	[spmem:s2] =	stream.indirect.scatter.add.f32 [tilespmem:s23], [sflag:$0x2], $0x40, s31, s22, $0xb8;
	[tilespmem:$0x12000] =	vst v63  }
0x51: {  	_ =	swait.ge [sflag:s20], $0x2000  }
0x52: {  	s25 =	simm.s32 $0x200;
	s26 =	simm.s32 $0x400;
	[sflag:s20] =	ssyncset.done $0x0  }
.LBB2_4:
0x53: {  	s28 =	sshra.s32 s25, $0x2  }
0x54: {  	[sflag:s20] =	ssyncadd.s32 $0xFFFFE000;
	s25 =	smov.u32 s26;
	s29 =	sadd.s32 $0x200, s26  }
0x55: {  	[tilespmem:s23], [sflag:$0x1] =	stream.indirect.gather [hbm4b:s4+s22], $0x40, s28, s22, $0xb8;
	[tilespmem:$0x12000] =	vst v63  }
0x56: {  	p0 =	sne.s32 s26, $0x9E00;
	_ =	swait.ge [sflag:s24], $0x2000  }
.Ltmp1:
0x57: {  	[sflag:s24] =	ssyncset.done $0x0;
	(pc) =	sbr.rel @p0 .LBB2_4-.Ltmp1, $4  }
0x58: {  	s26 =	sadd.s32 $0x2800, s28;
	[sflag:s24] =	ssyncadd.s32 $0xFFFFE000  }
0x59: {  	[spmem:s2] =	stream.indirect.scatter.add.f32 [tilespmem:s23], [sflag:$0x2], $0x40, s26, s22, $0xb8;
	[tilespmem:$0x12000] =	vst v63  }
0x5a: {  	_ =	swait.ge [sflag:s20], $0x2000  }
0x5b: {  	s26 =	smov.u32 s29;
	[sflag:s20] =	ssyncset.done $0x0  }
0x5c: {  	s25 =	sshra.s32 s25, $0x2;
	[sflag:s20] =	ssyncadd.s32 $0xFFFFE000  }
0x5d: {  	[tilespmem:s23], [sflag:$0x1] =	stream.indirect.gather [hbm4b:s4+s22], $0x40, s25, s22, $0xb8;
	[tilespmem:$0x12000] =	vst v63  }
0x5e: {  	_ =	swait.ge [sflag:s24], $0x2000  }
0x5f: {  	[sflag:s24] =	ssyncset.done $0x0  }
0x60: {  	s25 =	sadd.s32 $0x2800, s25;
	[sflag:s24] =	ssyncadd.s32 $0xFFFFE000  }
0x61: {  	[spmem:s2] =	stream.indirect.scatter.add.f32 [tilespmem:s23], [sflag:$0x2], $0x40, s25, s22, $0xb8;
	[tilespmem:$0x12000] =	vst v63  }
0x62: {  	_ =	swait.ge [sflag:s20], $0x2000  }
0x63: {  	s31 =	sshll.u32 s0, $0x6;
	s3 =	sadd.s32 $0x1, s3;
	[sflag:s20] =	ssyncset.done $0x0  }
0x64: {  	s26 =	sshrl.u32 s5, $0x3;
	p0 =	sne.s32 s3, s9;
	[sflag:s20] =	ssyncadd.s32 $0xFFFFE000  }
.Ltmp2:
0x65: {  	s25 =	sor.u32 $0x1C02, s31;
	[bflag:$0x0] =	sbarrier.arrive $0xFFFF;
	(pc) =	sbr.rel @p0 .LBB2_1-.Ltmp2, $4  }
0x66: {  	[hbm:s8], [sflag:s25] =	dma.local [spmem:s26], $0x1400  }
0x67: {  	_ =	swait.ge [sflag:s20], $0x1400  }
0x68: {  	[sflag:s20] =	ssyncset.done $0x0  }
0x69: {  	[sflag:s20] =	ssyncadd.s32 $0xFFFFEC00  }
0x6a: {  	_ =	sfence.sel $0x180000  }
0x6b: {  	[bflag:$0x0] =	sbarrier.arrive $0xFFFF  }
0x6c: {  	p0 =	sne.s32 s0, $0x0;
	_ =	strace $0x9000004A  }
0x6d: {  	s0 =	sadd.s32 @!p0 $0x100000, s1;
	[bflag:$0x2] =	sbarrier.arrive $0xFFFF  }
0x6e: {  	[sflag:s0] =	ssyncadd.tile.s32 @!p0 $0x1;
	_ =	shalt  }
.Lfunc_end2:
_tile_overlayer_lowered:
.L_overlay_start_2:
0x6f: {  	(tag) =	ssettag $0x2  }
0x70: {  	s0 =	rddreg [dreg:$0x0];
	s2 =	stileid.u32  }
0x71: {  	s1 =	rddreg [dreg:$0x1];
	p0 =	sne.s32 s2, $0x0  }
0x72: {  	s3 =	rddreg [dreg:$0x2];
	[bflag:$0x3] =	sbarrier.arrive $0xFFFF;
	s2 =	simm.s32 @!p0 $0x1C02  }
0x73: {  	[timem:s3], [sflag:s2] =	dma.local @!p0 [hbm:s0], s1  }
0x74: {  	s0 =	simm.s32 @!p0 $0x2  }
0x75: {  	_ =	swait.ge @!p0 [sflag:s0], s1  }
0x76: {  	s1 =	ssub.s32 @!p0 $0x0, s1;
	[sflag:s0] =	ssyncset.done @!p0 $0x0  }
0x77: {  	[sflag:s0] =	ssyncadd.s32 @!p0 s1  }
0x78: {  	[bflag:$0x3] =	sbarrier.arrive $0xFFFF  }
0x79: {  	_ =	shalt  }

// kernel: kernel.14.cloned.1.call-start
scs
__scs_entry_jumppad:
0x0: {  	(pc) =	sbr.rel $0x88, $3  }
0x1: {  	(tag) =	ssettag $0x0;
	lr =	simm.s32 $0x1  }
0x2: {  	[smem:$0x3F9B] =	sst lr;
	_ =	strace $0xD0000000  }
0x3: {  	_ = 	snop  }
0x4: {  	_ = 	snop  }
0x5: {  	_ = 	snop  }
0x6: {  	_ = 	snop  }
0x7: {  	_ = 	snop  }
__scs_overlays_trampoline_lowered:
0x8: {  	[smem:$0x3FAA] =	sst s0  }
0x9: {  	[smem:$0x3FAB] =	sst s1  }
0xa: {  	[smem:$0x3FAC] =	sst s2  }
0xb: {  	[smem:$0x3FAD] =	sst s3  }
0xc: {  	[smem:$0x3FAE] =	sst s4  }
0xd: {  	[smem:$0x3FAF] =	sst s5  }
0xe: {  	[smem:$0x3FB0] =	sst s6  }
0xf: {  	[smem:$0x3FB1] =	sst s7  }
0x10: {  	[smem:$0x3FB2] =	sst s8  }
0x11: {  	[smem:$0x3FB3] =	sst s9;
	s0 =	simm.s32 @!p0 $0x0  }
0x12: {  	s1 =	sld [smem:$0x3F99];
	s0 =	simm.s32 @p0 $0x1  }
0x13: {  	[smem:$0x3FB4] =	sst s0;
	s0 =	simm.s32 @!p1 $0x0  }
0x14: {  	s2 =	sld [smem:$0x3F98];
	s0 =	simm.s32 @p1 $0x1  }
0x15: {  	[smem:$0x3FB5] =	sst s0;
	s0 =	simm.s32 @!p2 $0x0  }
0x16: {  	s3 =	sld [smem:$0x3FDB];
	s0 =	simm.s32 @p2 $0x1  }
0x17: {  	s4 =	simm.s32 $0x1BF5;
	[smem:$0x3FB7] =	sst s0  }
0x18: {  	s0 =	sld [smem:$0x3F9A];
	_ =	swait.ge [sflag:s4], $0x0  }
0x19: {  	s7 =	sld [smem:$0x3F9B]  }
0x1a: {  	s8 =	sadd.s32 $0xFFFFE003, lr  }
0x1b: {  	s9 =	sadd.s32 $0xFFFFFEF7, lr;
	s5 =	simm.s32 $0xFFFFFFFF;
	p2 =	slt.u32 s8, $0xFFFFF086  }
0x1c: {  	p1 =	slt.u32 s9, $0xF7A;
	s5 =	simm.s32 @!p2 $0x0  }
0x1d: {  	s5 =	simm.s32 @p1 $0x1;
	p0 =	seq.s32 s7, s2  }
0x1e: {  	s7 =	smul.u32 @!p0 $0xF7A, s2;
	p2 =	seq.s32 @!p0 s5, $0x0  }
0x1f: {  	s9 =	smul.u32 $0xF7A, s1;
	s8 =	simm.s32 @!p0 $0x1BF5;
	p2 =	por !p2, p0  }
0x20: {  	[sflag:s8] =	ssyncset.s32 @!p0 $0xFFFFF086;
	s6 =	sadd.s32 @!p0 s3, s7;
	s7 =	simm.s32 @!p0 $0x108  }
0x21: {  	s3 =	sadd.s32 s3, s9;
	s6 =	sadd.s32 @!p0 $0x88, s6;
	s7 =	simm.s32 @p2 $0x1082  }
0x22: {  	[simem:s7], [sflag:s8] =	dma.local @!p0 [hbm:s6], $0xF7A  }
0x23: {  	s9 =	sor.u32 $0xD0000000, s2;
	s6 =	simm.s32 $0x108;
	_ =	swait.ge @!p0 [sflag:s8], $0x0  }
0x24: {  	s3 =	sadd.s32 $0x88, s3;
	s6 =	simm.s32 @!p1 $0x1082;
	[sflag:s4] =	ssyncset.s32 $0xFFFFF086  }
0x25: {  	[simem:s6], [sflag:s4] =	dma.local [hbm:s3], $0xF7A  }
0x26: {  	[smem:$0x3F9B] =	sst s1;
	(tag) =	ssettag s2;
	_ =	strace s9  }
0x27: {  	s1 =	sld [smem:$0x3FAB]  }
0x28: {  	s2 =	sld [smem:$0x3FAC]  }
0x29: {  	s4 =	sld [smem:$0x3FAE]  }
0x2a: {  	p0 =	seq.s32 s5, $0x0;
	s5 =	sld [smem:$0x3FAF]  }
0x2b: {  	s6 =	sld [smem:$0x3FB0]  }
0x2c: {  	s7 =	sld [smem:$0x3FB1]  }
0x2d: {  	s3 =	simm.s32 $0x108;
	s8 =	sld [smem:$0x3FB2]  }
0x2e: {  	s3 =	simm.s32 @!p0 $0x1082;
	s9 =	sld [smem:$0x3FB3]  }
0x2f: {  	lr =	sadd.s32 s0, s3;
	s0 =	sld [smem:$0x3FAA]  }
0x30: {  	s3 =	sld [smem:$0x3FAD]  }
0x31: {  	[smem:$0x3FB6] =	sst s10  }
0x32: {  	s10 =	sld [smem:$0x3FB4];
	_ =	sdelay $0x3  }
0x33: {  	p0 =	seq.s32 s10, $0x1;
	s10 =	sld [smem:$0x3FB6];
	_ =	sdelay $0x3  }
0x34: {  	[smem:$0x3FB6] =	sst s10  }
0x35: {  	s10 =	sld [smem:$0x3FB5];
	_ =	sdelay $0x3  }
0x36: {  	p1 =	seq.s32 s10, $0x1;
	s10 =	sld [smem:$0x3FB6];
	_ =	sdelay $0x3  }
0x37: {  	[smem:$0x3FB6] =	sst s10  }
0x38: {  	s10 =	sld [smem:$0x3FB7]  }
0x39: {  	_ = 	snop;
	(pc) =	sbr.ind lr, $3  }
0x3a: {  	_ = 	snop  }
0x3b: {  	_ = 	snop  }
0x3c: {  	p2 =	seq.s32 s10, $0x1;
	s10 =	sld [smem:$0x3FB6]  }
0x3d: {  	_ =	shalt  }
0x3e: {  	_ =	shalt  }
0x3f: {  	_ =	shalt  }
0x40: {  	_ =	shalt  }
0x41: {  	_ =	shalt  }
0x42: {  	_ =	shalt  }
0x43: {  	_ =	shalt  }
0x44: {  	_ =	shalt  }
0x45: {  	_ =	shalt  }
0x46: {  	_ =	shalt  }
0x47: {  	_ =	shalt  }
0x48: {  	_ =	shalt  }
0x49: {  	_ =	shalt  }
0x4a: {  	_ =	shalt  }
0x4b: {  	_ =	shalt  }
0x4c: {  	_ =	shalt  }
0x4d: {  	_ =	shalt  }
0x4e: {  	_ =	shalt  }
0x4f: {  	_ =	shalt  }
0x50: {  	_ =	shalt  }
0x51: {  	_ =	shalt  }
0x52: {  	_ =	shalt  }
0x53: {  	_ =	shalt  }
0x54: {  	_ =	shalt  }
0x55: {  	_ =	shalt  }
0x56: {  	_ =	shalt  }
0x57: {  	_ =	shalt  }
0x58: {  	_ =	shalt  }
0x59: {  	_ =	shalt  }
0x5a: {  	_ =	shalt  }
0x5b: {  	_ =	shalt  }
0x5c: {  	_ =	shalt  }
0x5d: {  	_ =	shalt  }
0x5e: {  	_ =	shalt  }
0x5f: {  	_ =	shalt  }
0x60: {  	_ =	shalt  }
0x61: {  	_ =	shalt  }
0x62: {  	_ =	shalt  }
0x63: {  	_ =	shalt  }
0x64: {  	_ =	shalt  }
0x65: {  	_ =	shalt  }
0x66: {  	_ =	shalt  }
0x67: {  	_ =	shalt  }
0x68: {  	_ =	shalt  }
0x69: {  	_ =	shalt  }
0x6a: {  	_ =	shalt  }
0x6b: {  	_ =	shalt  }
0x6c: {  	_ =	shalt  }
0x6d: {  	_ =	shalt  }
0x6e: {  	_ =	shalt  }
0x6f: {  	_ =	shalt  }
0x70: {  	_ =	shalt  }
0x71: {  	_ =	shalt  }
0x72: {  	_ =	shalt  }
0x73: {  	_ =	shalt  }
0x74: {  	_ =	shalt  }
0x75: {  	_ =	shalt  }
0x76: {  	_ =	shalt  }
0x77: {  	_ =	shalt  }
0x78: {  	_ =	shalt  }
0x79: {  	_ =	shalt  }
0x7a: {  	_ =	shalt  }
0x7b: {  	_ =	shalt  }
0x7c: {  	_ =	shalt  }
0x7d: {  	_ =	shalt  }
0x7e: {  	_ =	shalt  }
0x7f: {  	_ =	shalt  }
0x80: {  	_ =	shalt  }
0x81: {  	_ =	shalt  }
0x82: {  	_ =	shalt  }
0x83: {  	_ =	shalt  }
0x84: {  	_ =	shalt  }
0x85: {  	_ =	shalt  }
0x86: {  	_ =	shalt  }
0x87: {  	_ =	shalt  }
.Lfunc_end0:
.L_simem_size_0:
called_computation.2_lowered:
.L_overlay_start_0:
0x88: {  	s2 =	sld [smem:$0x3FD9]  }
0x89: {  	s3 =	sld [smem:$0x3FFE];
	_ =	sdelay $0x1  }
0x8a: {  	s1 =	srdreg.scid  }
0x8b: {  	s0 =	sand.u32 $0x1, s1  }
0x8c: {  	s17 =	sshll.u32 s0, $0xA;
	s2 =	sadd.s32 s3, s2  }
0x8d: {  	s2 =	sadd.s32 s2, s17  }
0x8e: {  	[smem:$0x3FC2] =	sst s2  }
0x8f: {  	_ = 	snop  }
0x90: {  	s2 =	sld [smem:$0x3FD0];
	(tm) =	ssettm $0x1  }
0x91: {  	s18 =	sld [smem:$0x3FFB];
	_ =	sdelay $0x3  }
0x92: {  	_ =	strace s18  }
0x93: {  	s3 =	sld [smem:$0x3FFC];
	_ =	sdelay $0x3  }
0x94: {  	_ =	strace s3  }
0x95: {  	s3 =	sld [smem:$0x3FFD];
	_ =	sdelay $0x3  }
0x96: {  	_ =	strace s3  }
0x97: {  	_ =	strace $0x8FFFFFFF  }
0x98: {  	s19 =	sld [smem:$0x3FDB];
	_ =	sdelay $0x1  }
0x99: {  	s4 =	simm.s32 $_scs_section_size  }
0x9a: {  	s5 =	simm.s32 $_size__tile_overlayer_lowered;
	s6 =	simm.s32 $_tile_overlayer_lowered  }
0x9b: {  	s22 =	simm.s32 $0x1BFF;
	s21 =	sshll.u32 s6, $0x1;
	s3 =	sadd.s32 s4, s19  }
0x9c: {  	s7 =	simm.s32 $0x0;
	s20 =	sshll.u32 s5, $0x1;
	s5 =	sadd.s32 s21, s3  }
0x9d: {  	[timem:s7], [sflag:s22] =	dma.local [hbm:s5], s20  }
0x9e: {  	_ =	swait.ge [sflag:s22], s20  }
0x9f: {  	s4 =	ssub.s32 $0x0, s20;
	[sflag:s22] =	ssyncset.done $0x0  }
0xa0: {  	[sflag:s22] =	ssyncadd.s32 s4;
	_ =	sdelay $0x1  }
0xa1: {  	s23 =	simm.s32 $0x1B8B  }
0xa2: {  	_ =	swait.ge [sflag:s23], $0x1  }
0xa3: {  	[sflag:s23] =	ssyncset.done $0x0  }
0xa4: {  	s25 =	simm.s32 $0x1B8E;
	s24 =	sld [smem:$0x3FFE];
	[sflag:s23] =	ssyncadd.s32 $0xFFFFFFFF  }
0xa5: {  	s26 =	simm.s32 $execute0_lowered;
	[smem:$0x3FD2] =	sst s25  }
0xa6: {  	s5 =	sshll.u32 s26, $0x1;
	_ =	strace $0x8000004C;
	[dreg:$0x1] =	wrdreg $0xFFFFFFFF  }
0xa7: {  	s28 =	simm.s32 $_size_execute0_lowered;
	s3 =	sadd.s32 s3, s5;
	[dreg:$0x0] =	wrdreg $0x0  }
0xa8: {  	s5 =	sshll.u32 s28, $0x1;
	[dreg:$0x2] =	wrdreg s3  }
0xa9: {  	[dreg:$0x3] =	wrdreg s5  }
0xaa: {  	[dreg:$0x4] =	wrdreg $0xC0  }
0xab: {  	_ =	task [dreg:s7], $0x5FFFF  }
0xac: {  	[dreg:$0x1] =	wrdreg $0xFFFFFFFF  }
0xad: {  	[dreg:$0x0] =	wrdreg $0x60  }
0xae: {  	[dreg:$0x2] =	wrdreg s24  }
0xaf: {  	[dreg:$0x3] =	wrdreg s2  }
0xb0: {  	[dreg:$0x4] =	wrdreg $0x70000  }
0xb1: {  	[dreg:$0x5] =	wrdreg $0x9  }
0xb2: {  	_ =	task.clear_ibuf [dreg:s7], $0x6FFFF;
	_ =	strace $0x9000004C  }
0xb3: {  	s29 =	simm.s32 $0x9;
	_ =	strace $0x8000004E  }
0xb4: {  	_ =	swait.ge [sflag:s29], $0x1  }
0xb5: {  	[sflag:s29] =	ssyncadd.s32 $0xFFFFFFFF  }
0xb6: {  	_ =	strace $0x9000004E  }
0xb7: {  	_ =	sfence  }
0xb8: {  	s30 =	sld [smem:$0x0];
	_ =	sdelay $0x2  }
0xb9: {  	s31 =	sshll.u32 s1, $0xD;
	s1 =	sshrl.u32 s1, $0x2  }
0xba: {  	s3 =	sand.u32 $0x4000, s31;
	s1 =	sadd.s32 s1, s30  }
0xbb: {  	s0 =	sor.u32 s3, s0;
	s1 =	sshll.u32 s1, $0x11  }
0xbc: {  	s0 =	sor.u32 s1, s0  }
0xbd: {  	s0 =	sadd.s32 $0x8F2B, s0  }
0xbe: {  	[sflag:s0] =	ssyncadd.remote.s32 $0x1  }
0xbf: {  	_ =	sfence.sel $0xFFFF  }
0xc0: {  	[dreg:$0x0] =	wrdreg $0xFFFFFFFF;
	(pc) =	sbr.abs _section_cstart, $3  }
0xc1: {  	[dreg:$0x1] =	wrdreg $0xFFFFFFFF  }
0xc2: {  	_ =	task.clear_ibuf [dreg:s7], $0x2FFFF;
	_ =	strace $0x9FFFFFFF  }
0xc3: {  	(tm) =	ssettm $0x7FFFFFFF  }
tec
execute0_lowered:
.L_overlay_start_1:
0x0: {  	(tag) =	ssettag $0x1  }
0x1: {  	s5 =	rddreg [dreg:$0x0]  }
0x2: {  	s1 =	srdreg.scid;
	s7 =	rddreg [dreg:$0x1]  }
0x3: {  	s0 =	stileid.u32;
	s2 =	rddreg [dreg:$0x2]  }
0x4: {  	s3 =	simm.s32 $0x0;
	s19 =	simm.s32 $0x11000;
	s20 =	simm.s32 $0x2  }
0x5: {  	s21 =	simm.s32 $0x2800;
	s22 =	simm.s32 $0x80;
	s23 =	simm.s32 $0x5000  }
0x6: {  	s24 =	simm.s32 $0x1;
	s6 =	sand.u32 $0x1, s1;
	s10 =	smul.u32 $0x1400, s0  }
0x7: {  	s28 =	sshll.u32 s0, $0x1;
	[smem:$0x7FF] =	sst s3;
	s11 =	smul.u32 $0x28000, s0  }
0x8: {  	s4 =	sadd.s32 $0x15A00, s5;
	s1 =	sor.u32 s6, s28;
	s9 =	smul.u32 $0x14000, s6  }
0x9: {  	s6 =	ssub.s32 $0x2, s6;
	s8 =	smul.u32 $0x500, s1;
	s1 =	rddreg [dreg:$0x3]  }
0xa: {  	_ =	strace $0x8000004D;
	s29 =	sshrl.u32 s6, $0x1;
	s30 =	sshrl.u32 s11, $0x2  }
0xb: {  	s9 =	sadd.s32 s10, s9;
	s31 =	ssub.s32 s6, s29;
	s12 =	sadd.s32 s8, s5  }
0xc: {  	s9 =	sadd.s32 s9, s5;
	s5 =	sadd.s32 s30, s2;
	s7 =	sadd.s32 s7, s8  }
0xd: {  	s6 =	sadd.s32 $0xBA00, s12;
	s8 =	sadd.s32 $0x29A00, s9;
	s9 =	smax.u32 s31, $0x1  }
0xe: {  	s10 =	sadd.s32 $0x1000, s5;
	s11 =	sadd.s32 $0x2000, s5;
	s12 =	sadd.s32 $0x3000, s5  }
0xf: {  	s13 =	sadd.s32 $0x4000, s5;
	s14 =	sadd.s32 $0x5000, s5;
	s15 =	sadd.s32 $0x6000, s5  }
0x10: {  	v0 =	vimm.f32 $0.0e+00;
	s16 =	sadd.s32 $0x7000, s5;
	s17 =	sadd.s32 $0x8000, s5;
	s18 =	sadd.s32 $0x9000, s5  }
.LBB2_1:
0x11: {  	s26 =	simm.s32 $0x100;
	s25 =	simm.s32 $0x0  }
.LBB2_2:
0x12: {  	p0 =	sne.s32 s26, $0x3F00;
	[tilespmem:s25+$0x11030] =	vst v0;
	s28 =	smov.u32 s26;
	s26 =	sadd.s32 $0x100, s26  }
.Ltmp0:
0x13: {  	[tilespmem:s25+$0x11020] =	vst v0;
	(pc) =	sbr.rel @p0 .LBB2_2-.Ltmp0, $3  }
0x14: {  	[tilespmem:s25+$0x11000] =	vst v0  }
0x15: {  	[tilespmem:s25+$0x11010] =	vst v0;
	_ =	sdelay $0x1  }
0x16: {  	s25 =	sshra.s32 s28, $0x2  }
0x17: {  	[tilespmem:s25+$0x11030] =	vst v0  }
0x18: {  	[tilespmem:s25+$0x11020] =	vst v0  }
0x19: {  	[tilespmem:s25+$0x11000] =	vst v0  }
0x1a: {  	[tilespmem:s25+$0x11010] =	vst v0  }
0x1b: {  	[spmem:s5] =	stream.linear.scatter [tilespmem:s19], [sflag:$0x2], $0x1000, $0x38;
	[tilespmem:$0x12000] =	vst v63  }
0x1c: {  	_ =	swait.ge [sflag:s20], $0x1000  }
0x1d: {  	[sflag:s20] =	ssyncset.done $0x0  }
0x1e: {  	[sflag:s20] =	ssyncadd.s32 $0xFFFFF000  }
0x1f: {  	[spmem:s10] =	stream.linear.scatter [tilespmem:s19], [sflag:$0x2], $0x1000, $0x38;
	[tilespmem:$0x12000] =	vst v63  }
0x20: {  	_ =	swait.ge [sflag:s20], $0x1000  }
0x21: {  	[sflag:s20] =	ssyncset.done $0x0  }
0x22: {  	[sflag:s20] =	ssyncadd.s32 $0xFFFFF000  }
0x23: {  	[spmem:s11] =	stream.linear.scatter [tilespmem:s19], [sflag:$0x2], $0x1000, $0x38;
	[tilespmem:$0x12000] =	vst v63  }
0x24: {  	_ =	swait.ge [sflag:s20], $0x1000  }
0x25: {  	[sflag:s20] =	ssyncset.done $0x0  }
0x26: {  	[sflag:s20] =	ssyncadd.s32 $0xFFFFF000  }
0x27: {  	[spmem:s12] =	stream.linear.scatter [tilespmem:s19], [sflag:$0x2], $0x1000, $0x38;
	[tilespmem:$0x12000] =	vst v63  }
0x28: {  	_ =	swait.ge [sflag:s20], $0x1000  }
0x29: {  	[sflag:s20] =	ssyncset.done $0x0  }
0x2a: {  	[sflag:s20] =	ssyncadd.s32 $0xFFFFF000  }
0x2b: {  	[spmem:s13] =	stream.linear.scatter [tilespmem:s19], [sflag:$0x2], $0x1000, $0x38;
	[tilespmem:$0x12000] =	vst v63  }
0x2c: {  	_ =	swait.ge [sflag:s20], $0x1000  }
0x2d: {  	[sflag:s20] =	ssyncset.done $0x0  }
0x2e: {  	[sflag:s20] =	ssyncadd.s32 $0xFFFFF000  }
0x2f: {  	[spmem:s14] =	stream.linear.scatter [tilespmem:s19], [sflag:$0x2], $0x1000, $0x38;
	[tilespmem:$0x12000] =	vst v63  }
0x30: {  	_ =	swait.ge [sflag:s20], $0x1000  }
0x31: {  	[sflag:s20] =	ssyncset.done $0x0  }
0x32: {  	[sflag:s20] =	ssyncadd.s32 $0xFFFFF000  }
0x33: {  	[spmem:s15] =	stream.linear.scatter [tilespmem:s19], [sflag:$0x2], $0x1000, $0x38;
	[tilespmem:$0x12000] =	vst v63  }
0x34: {  	_ =	swait.ge [sflag:s20], $0x1000  }
0x35: {  	[sflag:s20] =	ssyncset.done $0x0  }
0x36: {  	[sflag:s20] =	ssyncadd.s32 $0xFFFFF000  }
0x37: {  	[spmem:s16] =	stream.linear.scatter [tilespmem:s19], [sflag:$0x2], $0x1000, $0x38;
	[tilespmem:$0x12000] =	vst v63  }
0x38: {  	_ =	swait.ge [sflag:s20], $0x1000  }
0x39: {  	[sflag:s20] =	ssyncset.done $0x0  }
0x3a: {  	[sflag:s20] =	ssyncadd.s32 $0xFFFFF000  }
0x3b: {  	[spmem:s17] =	stream.linear.scatter [tilespmem:s19], [sflag:$0x2], $0x1000, $0x38;
	[tilespmem:$0x12000] =	vst v63  }
0x3c: {  	_ =	swait.ge [sflag:s20], $0x1000  }
0x3d: {  	[sflag:s20] =	ssyncset.done $0x0  }
0x3e: {  	[sflag:s20] =	ssyncadd.s32 $0xFFFFF000  }
0x3f: {  	[spmem:s18] =	stream.linear.scatter [tilespmem:s19], [sflag:$0x2], $0x1000, $0x38;
	[tilespmem:$0x12000] =	vst v63  }
0x40: {  	_ =	swait.ge [sflag:s20], $0x1000  }
0x41: {  	[sflag:s20] =	ssyncset.done $0x0  }
0x42: {  	s29 =	simm.s32 $0x0;
	[sflag:s20] =	ssyncadd.s32 $0xFFFFF000  }
0x43: {  	[tilespmem:s29], [sflag:$0x2] =	stream.linear.gather [hbm4b:s6+s29], $0x2800, $0x38;
	[tilespmem:$0x12000] =	vst v63  }
0x44: {  	_ =	swait.ge [sflag:s20], $0x2800  }
0x45: {  	[sflag:s20] =	ssyncset.done $0x0  }
0x46: {  	[sflag:s20] =	ssyncadd.s32 $0xFFFFD800  }
0x47: {  	[tilespmem:s21], [sflag:$0x2] =	stream.linear.gather [hbm4b:s7+s29], $0x2800, $0x38;
	[tilespmem:$0x12000] =	vst v63  }
0x48: {  	_ =	swait.ge [sflag:s20], $0x2800  }
0x49: {  	[sflag:s20] =	ssyncset.done $0x0  }
0x4a: {  	[sflag:s20] =	ssyncadd.s32 $0xFFFFD800  }
0x4b: {  	s30 =	simm.s32 $0x0;
	[bflag:$0x0] =	sbarrier.arrive $0xFFFF  }
0x4c: {  	[tilespmem:s23], [sflag:$0x1] =	stream.indirect.gather [hbm4b:s4+s22], $0x40, s30, s22, $0xb8;
	[tilespmem:$0x12000] =	vst v63  }
0x4d: {  	_ =	swait.ge [sflag:s24], $0x2000  }
0x4e: {  	[sflag:s24] =	ssyncset.done $0x0  }
0x4f: {  	s31 =	simm.s32 $0x2800;
	[sflag:s24] =	ssyncadd.s32 $0xFFFFE000  }
0x50: {  	[spmem:s2] =	stream.indirect.scatter.add.f32 [tilespmem:s23], [sflag:$0x2], $0x40, s31, s22, $0xb8;
	[tilespmem:$0x12000] =	vst v63  }
0x51: {  	_ =	swait.ge [sflag:s20], $0x2000  }
0x52: {  	s25 =	simm.s32 $0x200;
	s26 =	simm.s32 $0x400;
	[sflag:s20] =	ssyncset.done $0x0  }
.LBB2_4:
0x53: {  	s28 =	sshra.s32 s25, $0x2  }
0x54: {  	[sflag:s20] =	ssyncadd.s32 $0xFFFFE000;
	s25 =	smov.u32 s26;
	s29 =	sadd.s32 $0x200, s26  }
0x55: {  	[tilespmem:s23], [sflag:$0x1] =	stream.indirect.gather [hbm4b:s4+s22], $0x40, s28, s22, $0xb8;
	[tilespmem:$0x12000] =	vst v63  }
0x56: {  	p0 =	sne.s32 s26, $0x9E00;
	_ =	swait.ge [sflag:s24], $0x2000  }
.Ltmp1:
0x57: {  	[sflag:s24] =	ssyncset.done $0x0;
	(pc) =	sbr.rel @p0 .LBB2_4-.Ltmp1, $4  }
0x58: {  	s26 =	sadd.s32 $0x2800, s28;
	[sflag:s24] =	ssyncadd.s32 $0xFFFFE000  }
0x59: {  	[spmem:s2] =	stream.indirect.scatter.add.f32 [tilespmem:s23], [sflag:$0x2], $0x40, s26, s22, $0xb8;
	[tilespmem:$0x12000] =	vst v63  }
0x5a: {  	_ =	swait.ge [sflag:s20], $0x2000  }
0x5b: {  	s26 =	smov.u32 s29;
	[sflag:s20] =	ssyncset.done $0x0  }
0x5c: {  	s25 =	sshra.s32 s25, $0x2;
	[sflag:s20] =	ssyncadd.s32 $0xFFFFE000  }
0x5d: {  	[tilespmem:s23], [sflag:$0x1] =	stream.indirect.gather [hbm4b:s4+s22], $0x40, s25, s22, $0xb8;
	[tilespmem:$0x12000] =	vst v63  }
0x5e: {  	_ =	swait.ge [sflag:s24], $0x2000  }
0x5f: {  	[sflag:s24] =	ssyncset.done $0x0  }
0x60: {  	s25 =	sadd.s32 $0x2800, s25;
	[sflag:s24] =	ssyncadd.s32 $0xFFFFE000  }
0x61: {  	[spmem:s2] =	stream.indirect.scatter.add.f32 [tilespmem:s23], [sflag:$0x2], $0x40, s25, s22, $0xb8;
	[tilespmem:$0x12000] =	vst v63  }
0x62: {  	_ =	swait.ge [sflag:s20], $0x2000  }
0x63: {  	s31 =	sshll.u32 s0, $0x6;
	s3 =	sadd.s32 $0x1, s3;
	[sflag:s20] =	ssyncset.done $0x0  }
0x64: {  	s26 =	sshrl.u32 s5, $0x3;
	p0 =	sne.s32 s3, s9;
	[sflag:s20] =	ssyncadd.s32 $0xFFFFE000  }
.Ltmp2:
0x65: {  	s25 =	sor.u32 $0x1C02, s31;
	[bflag:$0x0] =	sbarrier.arrive $0xFFFF;
	(pc) =	sbr.rel @p0 .LBB2_1-.Ltmp2, $4  }
0x66: {  	[hbm:s8], [sflag:s25] =	dma.local [spmem:s26], $0x1400  }
0x67: {  	_ =	swait.ge [sflag:s20], $0x1400  }
0x68: {  	[sflag:s20] =	ssyncset.done $0x0  }
0x69: {  	[sflag:s20] =	ssyncadd.s32 $0xFFFFEC00  }
0x6a: {  	_ =	sfence.sel $0x180000  }
0x6b: {  	[bflag:$0x0] =	sbarrier.arrive $0xFFFF  }
0x6c: {  	p0 =	sne.s32 s0, $0x0;
	_ =	strace $0x9000004D  }
0x6d: {  	s0 =	sadd.s32 @!p0 $0x100000, s1;
	[bflag:$0x2] =	sbarrier.arrive $0xFFFF  }
0x6e: {  	[sflag:s0] =	ssyncadd.tile.s32 @!p0 $0x1;
	_ =	shalt  }
.Lfunc_end2:
_tile_overlayer_lowered:
.L_overlay_start_2:
0x6f: {  	(tag) =	ssettag $0x2  }
0x70: {  	s0 =	rddreg [dreg:$0x0];
	s2 =	stileid.u32  }
0x71: {  	s1 =	rddreg [dreg:$0x1];
	p0 =	sne.s32 s2, $0x0  }
0x72: {  	s3 =	rddreg [dreg:$0x2];
	[bflag:$0x3] =	sbarrier.arrive $0xFFFF;
	s2 =	simm.s32 @!p0 $0x1C02  }
0x73: {  	[timem:s3], [sflag:s2] =	dma.local @!p0 [hbm:s0], s1  }
0x74: {  	s0 =	simm.s32 @!p0 $0x2  }
0x75: {  	_ =	swait.ge @!p0 [sflag:s0], s1  }
0x76: {  	s1 =	ssub.s32 @!p0 $0x0, s1;
	[sflag:s0] =	ssyncset.done @!p0 $0x0  }
0x77: {  	[sflag:s0] =	ssyncadd.s32 @!p0 s1  }
0x78: {  	[bflag:$0x3] =	sbarrier.arrive $0xFFFF  }
0x79: {  	_ =	shalt  }

// kernel: kernel.8.cloned.1.call-start
scs
__scs_entry_jumppad:
0x0: {  	(pc) =	sbr.rel $0x88, $3  }
0x1: {  	(tag) =	ssettag $0x0;
	lr =	simm.s32 $0x1  }
0x2: {  	[smem:$0x3F9B] =	sst lr;
	_ =	strace $0xD0000000  }
0x3: {  	_ = 	snop  }
0x4: {  	_ = 	snop  }
0x5: {  	_ = 	snop  }
0x6: {  	_ = 	snop  }
0x7: {  	_ = 	snop  }
__scs_overlays_trampoline_lowered:
0x8: {  	[smem:$0x3FAA] =	sst s0  }
0x9: {  	[smem:$0x3FAB] =	sst s1  }
0xa: {  	[smem:$0x3FAC] =	sst s2  }
0xb: {  	[smem:$0x3FAD] =	sst s3  }
0xc: {  	[smem:$0x3FAE] =	sst s4  }
0xd: {  	[smem:$0x3FAF] =	sst s5  }
0xe: {  	[smem:$0x3FB0] =	sst s6  }
0xf: {  	[smem:$0x3FB1] =	sst s7  }
0x10: {  	[smem:$0x3FB2] =	sst s8  }
0x11: {  	[smem:$0x3FB3] =	sst s9;
	s0 =	simm.s32 @!p0 $0x0  }
0x12: {  	s1 =	sld [smem:$0x3F99];
	s0 =	simm.s32 @p0 $0x1  }
0x13: {  	[smem:$0x3FB4] =	sst s0;
	s0 =	simm.s32 @!p1 $0x0  }
0x14: {  	s2 =	sld [smem:$0x3F98];
	s0 =	simm.s32 @p1 $0x1  }
0x15: {  	[smem:$0x3FB5] =	sst s0;
	s0 =	simm.s32 @!p2 $0x0  }
0x16: {  	s3 =	sld [smem:$0x3FDB];
	s0 =	simm.s32 @p2 $0x1  }
0x17: {  	s4 =	simm.s32 $0x1BF5;
	[smem:$0x3FB7] =	sst s0  }
0x18: {  	s0 =	sld [smem:$0x3F9A];
	_ =	swait.ge [sflag:s4], $0x0  }
0x19: {  	s7 =	sld [smem:$0x3F9B]  }
0x1a: {  	s8 =	sadd.s32 $0xFFFFE003, lr  }
0x1b: {  	s9 =	sadd.s32 $0xFFFFFEF7, lr;
	s5 =	simm.s32 $0xFFFFFFFF;
	p2 =	slt.u32 s8, $0xFFFFF086  }
0x1c: {  	p1 =	slt.u32 s9, $0xF7A;
	s5 =	simm.s32 @!p2 $0x0  }
0x1d: {  	s5 =	simm.s32 @p1 $0x1;
	p0 =	seq.s32 s7, s2  }
0x1e: {  	s7 =	smul.u32 @!p0 $0xF7A, s2;
	p2 =	seq.s32 @!p0 s5, $0x0  }
0x1f: {  	s9 =	smul.u32 $0xF7A, s1;
	s8 =	simm.s32 @!p0 $0x1BF5;
	p2 =	por !p2, p0  }
0x20: {  	[sflag:s8] =	ssyncset.s32 @!p0 $0xFFFFF086;
	s6 =	sadd.s32 @!p0 s3, s7;
	s7 =	simm.s32 @!p0 $0x108  }
0x21: {  	s3 =	sadd.s32 s3, s9;
	s6 =	sadd.s32 @!p0 $0x88, s6;
	s7 =	simm.s32 @p2 $0x1082  }
0x22: {  	[simem:s7], [sflag:s8] =	dma.local @!p0 [hbm:s6], $0xF7A  }
0x23: {  	s9 =	sor.u32 $0xD0000000, s2;
	s6 =	simm.s32 $0x108;
	_ =	swait.ge @!p0 [sflag:s8], $0x0  }
0x24: {  	s3 =	sadd.s32 $0x88, s3;
	s6 =	simm.s32 @!p1 $0x1082;
	[sflag:s4] =	ssyncset.s32 $0xFFFFF086  }
0x25: {  	[simem:s6], [sflag:s4] =	dma.local [hbm:s3], $0xF7A  }
0x26: {  	[smem:$0x3F9B] =	sst s1;
	(tag) =	ssettag s2;
	_ =	strace s9  }
0x27: {  	s1 =	sld [smem:$0x3FAB]  }
0x28: {  	s2 =	sld [smem:$0x3FAC]  }
0x29: {  	s4 =	sld [smem:$0x3FAE]  }
0x2a: {  	p0 =	seq.s32 s5, $0x0;
	s5 =	sld [smem:$0x3FAF]  }
0x2b: {  	s6 =	sld [smem:$0x3FB0]  }
0x2c: {  	s7 =	sld [smem:$0x3FB1]  }
0x2d: {  	s3 =	simm.s32 $0x108;
	s8 =	sld [smem:$0x3FB2]  }
0x2e: {  	s3 =	simm.s32 @!p0 $0x1082;
	s9 =	sld [smem:$0x3FB3]  }
0x2f: {  	lr =	sadd.s32 s0, s3;
	s0 =	sld [smem:$0x3FAA]  }
0x30: {  	s3 =	sld [smem:$0x3FAD]  }
0x31: {  	[smem:$0x3FB6] =	sst s10  }
0x32: {  	s10 =	sld [smem:$0x3FB4];
	_ =	sdelay $0x3  }
0x33: {  	p0 =	seq.s32 s10, $0x1;
	s10 =	sld [smem:$0x3FB6];
	_ =	sdelay $0x3  }
0x34: {  	[smem:$0x3FB6] =	sst s10  }
0x35: {  	s10 =	sld [smem:$0x3FB5];
	_ =	sdelay $0x3  }
0x36: {  	p1 =	seq.s32 s10, $0x1;
	s10 =	sld [smem:$0x3FB6];
	_ =	sdelay $0x3  }
0x37: {  	[smem:$0x3FB6] =	sst s10  }
0x38: {  	s10 =	sld [smem:$0x3FB7]  }
0x39: {  	_ = 	snop;
	(pc) =	sbr.ind lr, $3  }
0x3a: {  	_ = 	snop  }
0x3b: {  	_ = 	snop  }
0x3c: {  	p2 =	seq.s32 s10, $0x1;
	s10 =	sld [smem:$0x3FB6]  }
0x3d: {  	_ =	shalt  }
0x3e: {  	_ =	shalt  }
0x3f: {  	_ =	shalt  }
0x40: {  	_ =	shalt  }
0x41: {  	_ =	shalt  }
0x42: {  	_ =	shalt  }
0x43: {  	_ =	shalt  }
0x44: {  	_ =	shalt  }
0x45: {  	_ =	shalt  }
0x46: {  	_ =	shalt  }
0x47: {  	_ =	shalt  }
0x48: {  	_ =	shalt  }
0x49: {  	_ =	shalt  }
0x4a: {  	_ =	shalt  }
0x4b: {  	_ =	shalt  }
0x4c: {  	_ =	shalt  }
0x4d: {  	_ =	shalt  }
0x4e: {  	_ =	shalt  }
0x4f: {  	_ =	shalt  }
0x50: {  	_ =	shalt  }
0x51: {  	_ =	shalt  }
0x52: {  	_ =	shalt  }
0x53: {  	_ =	shalt  }
0x54: {  	_ =	shalt  }
0x55: {  	_ =	shalt  }
0x56: {  	_ =	shalt  }
0x57: {  	_ =	shalt  }
0x58: {  	_ =	shalt  }
0x59: {  	_ =	shalt  }
0x5a: {  	_ =	shalt  }
0x5b: {  	_ =	shalt  }
0x5c: {  	_ =	shalt  }
0x5d: {  	_ =	shalt  }
0x5e: {  	_ =	shalt  }
0x5f: {  	_ =	shalt  }
0x60: {  	_ =	shalt  }
0x61: {  	_ =	shalt  }
0x62: {  	_ =	shalt  }
0x63: {  	_ =	shalt  }
0x64: {  	_ =	shalt  }
0x65: {  	_ =	shalt  }
0x66: {  	_ =	shalt  }
0x67: {  	_ =	shalt  }
0x68: {  	_ =	shalt  }
0x69: {  	_ =	shalt  }
0x6a: {  	_ =	shalt  }
0x6b: {  	_ =	shalt  }
0x6c: {  	_ =	shalt  }
0x6d: {  	_ =	shalt  }
0x6e: {  	_ =	shalt  }
0x6f: {  	_ =	shalt  }
0x70: {  	_ =	shalt  }
0x71: {  	_ =	shalt  }
0x72: {  	_ =	shalt  }
0x73: {  	_ =	shalt  }
0x74: {  	_ =	shalt  }
0x75: {  	_ =	shalt  }
0x76: {  	_ =	shalt  }
0x77: {  	_ =	shalt  }
0x78: {  	_ =	shalt  }
0x79: {  	_ =	shalt  }
0x7a: {  	_ =	shalt  }
0x7b: {  	_ =	shalt  }
0x7c: {  	_ =	shalt  }
0x7d: {  	_ =	shalt  }
0x7e: {  	_ =	shalt  }
0x7f: {  	_ =	shalt  }
0x80: {  	_ =	shalt  }
0x81: {  	_ =	shalt  }
0x82: {  	_ =	shalt  }
0x83: {  	_ =	shalt  }
0x84: {  	_ =	shalt  }
0x85: {  	_ =	shalt  }
0x86: {  	_ =	shalt  }
0x87: {  	_ =	shalt  }
.Lfunc_end0:
.L_simem_size_0:
called_computation_lowered:
.L_overlay_start_0:
0x88: {  	s2 =	sld [smem:$0x3FD9]  }
0x89: {  	s3 =	sld [smem:$0x3FFE];
	_ =	sdelay $0x1  }
0x8a: {  	s1 =	srdreg.scid  }
0x8b: {  	s0 =	sand.u32 $0x1, s1  }
0x8c: {  	s17 =	sshll.u32 s0, $0xA;
	s2 =	sadd.s32 s3, s2  }
0x8d: {  	s2 =	sadd.s32 s2, s17  }
0x8e: {  	[smem:$0x3FC2] =	sst s2  }
0x8f: {  	_ = 	snop  }
0x90: {  	s2 =	sld [smem:$0x3FD0];
	(tm) =	ssettm $0x1  }
0x91: {  	s18 =	sld [smem:$0x3FFB];
	_ =	sdelay $0x3  }
0x92: {  	_ =	strace s18  }
0x93: {  	s3 =	sld [smem:$0x3FFC];
	_ =	sdelay $0x3  }
0x94: {  	_ =	strace s3  }
0x95: {  	s3 =	sld [smem:$0x3FFD];
	_ =	sdelay $0x3  }
0x96: {  	_ =	strace s3  }
0x97: {  	_ =	strace $0x8FFFFFFF  }
0x98: {  	s19 =	sld [smem:$0x3FDB];
	_ =	sdelay $0x1  }
0x99: {  	s4 =	simm.s32 $_scs_section_size  }
0x9a: {  	s5 =	simm.s32 $_size__tile_overlayer_lowered;
	s6 =	simm.s32 $_tile_overlayer_lowered  }
0x9b: {  	s22 =	simm.s32 $0x1BFF;
	s21 =	sshll.u32 s6, $0x1;
	s3 =	sadd.s32 s4, s19  }
0x9c: {  	s7 =	simm.s32 $0x0;
	s20 =	sshll.u32 s5, $0x1;
	s5 =	sadd.s32 s21, s3  }
0x9d: {  	[timem:s7], [sflag:s22] =	dma.local [hbm:s5], s20  }
0x9e: {  	_ =	swait.ge [sflag:s22], s20  }
0x9f: {  	s4 =	ssub.s32 $0x0, s20;
	[sflag:s22] =	ssyncset.done $0x0  }
0xa0: {  	[sflag:s22] =	ssyncadd.s32 s4;
	_ =	sdelay $0x1  }
0xa1: {  	s23 =	simm.s32 $0x1B8B  }
0xa2: {  	_ =	swait.ge [sflag:s23], $0x1  }
0xa3: {  	[sflag:s23] =	ssyncset.done $0x0  }
0xa4: {  	s25 =	simm.s32 $0x1B8E;
	s24 =	sld [smem:$0x3FFE];
	[sflag:s23] =	ssyncadd.s32 $0xFFFFFFFF  }
0xa5: {  	s26 =	simm.s32 $execute0_lowered;
	[smem:$0x3FD2] =	sst s25  }
0xa6: {  	s5 =	sshll.u32 s26, $0x1;
	_ =	strace $0x80000046;
	[dreg:$0x1] =	wrdreg $0xFFFFFFFF  }
0xa7: {  	s28 =	simm.s32 $_size_execute0_lowered;
	s3 =	sadd.s32 s3, s5;
	[dreg:$0x0] =	wrdreg $0x0  }
0xa8: {  	s5 =	sshll.u32 s28, $0x1;
	[dreg:$0x2] =	wrdreg s3  }
0xa9: {  	[dreg:$0x3] =	wrdreg s5  }
0xaa: {  	[dreg:$0x4] =	wrdreg $0xC0  }
0xab: {  	_ =	task [dreg:s7], $0x5FFFF  }
0xac: {  	[dreg:$0x1] =	wrdreg $0xFFFFFFFF  }
0xad: {  	[dreg:$0x0] =	wrdreg $0x60  }
0xae: {  	[dreg:$0x2] =	wrdreg s2  }
0xaf: {  	[dreg:$0x3] =	wrdreg s24  }
0xb0: {  	[dreg:$0x4] =	wrdreg $0x9  }
0xb1: {  	_ =	task.clear_ibuf [dreg:s7], $0x5FFFF;
	_ =	strace $0x90000046  }
0xb2: {  	s29 =	simm.s32 $0x9;
	_ =	strace $0x80000048  }
0xb3: {  	_ =	swait.ge [sflag:s29], $0x1  }
0xb4: {  	[sflag:s29] =	ssyncadd.s32 $0xFFFFFFFF  }
0xb5: {  	_ =	strace $0x90000048  }
0xb6: {  	_ =	sfence  }
0xb7: {  	s30 =	sld [smem:$0x0];
	_ =	sdelay $0x2  }
0xb8: {  	s31 =	sshll.u32 s1, $0xD;
	s1 =	sshrl.u32 s1, $0x2  }
0xb9: {  	s3 =	sand.u32 $0x4000, s31;
	s1 =	sadd.s32 s1, s30  }
0xba: {  	s0 =	sor.u32 s3, s0;
	s1 =	sshll.u32 s1, $0x11  }
0xbb: {  	s0 =	sor.u32 s1, s0  }
0xbc: {  	s0 =	sadd.s32 $0x8F2B, s0  }
0xbd: {  	[sflag:s0] =	ssyncadd.remote.s32 $0x1  }
0xbe: {  	_ =	sfence.sel $0xFFFF  }
0xbf: {  	[dreg:$0x0] =	wrdreg $0xFFFFFFFF;
	(pc) =	sbr.abs _section_cstart, $3  }
0xc0: {  	[dreg:$0x1] =	wrdreg $0xFFFFFFFF  }
0xc1: {  	_ =	task.clear_ibuf [dreg:s7], $0x2FFFF;
	_ =	strace $0x9FFFFFFF  }
0xc2: {  	(tm) =	ssettm $0x7FFFFFFF  }
0xc3: {  	_ =	shalt  }
tec
execute0_lowered:
.L_overlay_start_1:
0x0: {  	(tag) =	ssettag $0x1  }
0x1: {  	s1 =	srdreg.scid  }
0x2: {  	s0 =	stileid.u32;
	s4 =	rddreg [dreg:$0x0]  }
0x3: {  	s6 =	rddreg [dreg:$0x1];
	s3 =	sand.u32 $0x1, s1;
	s29 =	sshll.u32 s0, $0x1  }
0x4: {  	s2 =	simm.s32 $0x0;
	s30 =	sshrl.u32 s0, $0x2;
	s5 =	sor.u32 s3, s29  }
0x5: {  	s9 =	simm.s32 $0x400;
	s7 =	smul.u32 $0x14000, s30;
	s8 =	sshll.u32 s5, $0x7  }
0x6: {  	s10 =	simm.s32 $0x0;
	s1 =	rddreg [dreg:$0x2];
	s8 =	sand.u32 $0x380, s8  }
0x7: {  	[smem:$0x7FF] =	sst s2;
	s3 =	ssub.s32 $0x2, s3;
	s7 =	sor.u32 s7, s8  }
0x8: {  	_ =	strace $0x80000047;
	s5 =	smul.u32 $0x500, s5;
	s7 =	sshrl.u32 s7, $0x3  }
0x9: {  	s31 =	sshrl.u32 s3, $0x1;
	s8 =	simm.s32 $0x80;
	s6 =	sadd.s32 s7, s6  }
0xa: {  	s7 =	ssub.s32 s3, s31;
	s3 =	sadd.s32 s4, s5;
	s4 =	sadd.s32 $0x1A00, s6  }
0xb: {  	v0 =	vimm.f32 $0.0e+00;
	v1 =	vimm.f32 $1.000000000e+00;
	s5 =	smax.u32 s7, $0x1;
	s6 =	simm.s32 $0x2800;
	s7 =	simm.s32 $0x1  }
.LBB2_1:
0xc: {  	s11 =	simm.s32 $0x40;
	s12 =	simm.s32 $0x0  }
.LBB2_2:
0xd: {  	p0 =	sne.s32 s11, $0x9FC0;
	[tilespmem:s12+$0x0] =	vst v0;
	s12 =	smov.u32 s11;
	s11 =	sadd.s32 $0x40, s11  }
.Ltmp0:
0xe: {  	(pc) =	sbr.rel @p0 .LBB2_2-.Ltmp0, $2  }
0xf: {  	_ =	sdelay $0x2  }
0x10: {  	s12 =	sshra.s32 s12, $0x2  }
0x11: {  	[tilespmem:s12+$0x0] =	vst v0;
	s11 =	simm.s32 $0x0  }
0x12: {  	[tilespmem:s6], [sflag:$0x1] =	stream.linear.gather [hbm4b:s3+s11], $0x2800, $0x38;
	[tilespmem:$0x5000] =	vst v63  }
0x13: {  	_ =	swait.ge [sflag:s7], $0x2800  }
0x14: {  	[sflag:s7] =	ssyncset.done $0x0  }
0x15: {  	s12 =	simm.s32 $0x0;
	s11 =	simm.s32 $0x40;
	[sflag:s7] =	ssyncadd.s32 $0xFFFFD800  }
.LBB2_4:
0x16: {  	p0 =	sne.s32 s11, $0x9FC0;
	v2 =	vld [tilespmem:s12+$0x2800];
	_ =	sdelay $0x3  }
.Ltmp1:
0x17: {  	(pc) =	sbr.rel @p0 .LBB2_4-.Ltmp1, $2  }
0x18: {  	_ =	sdelay $0x2  }
0x19: {  	s12 =	sshra.s32 s11, $0x2;
	s11 =	sadd.s32 $0x40, s11;
	[tilespmem:v2+s2+$0x0] =	vst.idx.add.f32.msk $0xffff, v1  }
0x1a: {  	v2 =	vld [tilespmem:s12+$0x2800];
	_ =	sdelay $0x5  }
0x1b: {  	s10 =	sadd.s32 $0x1, s10  }
0x1c: {  	p0 =	sne.s32 s10, s5  }
.Ltmp2:
0x1d: {  	[tilespmem:v2+s2+$0x0] =	vst.idx.add.f32.msk $0xffff, v1;
	(pc) =	sbr.rel @p0 .LBB2_1-.Ltmp2, $4  }
0x1e: {  	[hbm4b:s4+s8] =	stream.strided.scatter [tilespmem:s2], [sflag:$0x1], $0x2800, s9, s8, $0x38;
	[tilespmem:$0x5000] =	vst v63  }
0x1f: {  	_ =	swait.ge [sflag:s7], $0x2800  }
0x20: {  	[sflag:s7] =	ssyncset.done $0x0  }
0x21: {  	[sflag:s7] =	ssyncadd.s32 $0xFFFFD800  }
0x22: {  	_ =	sfence.sel $0x180000  }
0x23: {  	[bflag:$0x0] =	sbarrier.arrive $0xFFFF  }
0x24: {  	p0 =	sne.s32 s0, $0x0;
	_ =	strace $0x90000047  }
0x25: {  	s0 =	sadd.s32 @!p0 $0x100000, s1;
	[bflag:$0x2] =	sbarrier.arrive $0xFFFF  }
0x26: {  	[sflag:s0] =	ssyncadd.tile.s32 @!p0 $0x1;
	_ =	shalt  }
.Lfunc_end2:
_tile_overlayer_lowered:
.L_overlay_start_2:
0x27: {  	(tag) =	ssettag $0x2  }
0x28: {  	s0 =	rddreg [dreg:$0x0];
	s2 =	stileid.u32  }
0x29: {  	s1 =	rddreg [dreg:$0x1];
	p0 =	sne.s32 s2, $0x0  }
0x2a: {  	s3 =	rddreg [dreg:$0x2];
	[bflag:$0x3] =	sbarrier.arrive $0xFFFF;
	s2 =	simm.s32 @!p0 $0x1C01  }
0x2b: {  	[timem:s3], [sflag:s2] =	dma.local @!p0 [hbm:s0], s1  }
0x2c: {  	s0 =	simm.s32 @!p0 $0x1  }
0x2d: {  	_ =	swait.ge @!p0 [sflag:s0], s1  }
0x2e: {  	s1 =	ssub.s32 @!p0 $0x0, s1;
	[sflag:s0] =	ssyncset.done @!p0 $0x0  }
0x2f: {  	[sflag:s0] =	ssyncadd.s32 @!p0 s1  }
0x30: {  	[bflag:$0x3] =	sbarrier.arrive $0xFFFF  }
0x31: {  	_ =	shalt  }

</sc_bundles>
